<compile_context>
chip_gen: v7x
topology: tpu7x:2x2x1
jax: 0.10.2.dev20260603
libtpu: 0.0.44.dev20260713+nightly
codegen_flags: <defaults>
</compile_context>

<pallas_src>
import functools

import jax
import jax.numpy as jnp
from jax import lax
from jax.experimental import pallas as pl
from jax.experimental.pallas import tpu as pltpu
from jax.experimental.pallas import tpu_sc as plsc

VOCAB = 100000
EMBED_DIM = 128
BATCH = 1024
HIST = 200

NUM_CORES = 2
NUM_SUBCORES = 16
NUM_WORKERS = NUM_CORES * NUM_SUBCORES

B_TOTAL = BATCH * HIST
PER_WORKER = B_TOTAL // NUM_WORKERS
CHUNK = 128
N_CHUNKS = PER_WORKER // CHUNK
NBUF = 7
N_MAIN = (N_CHUNKS // NBUF) * NBUF

_mesh = plsc.VectorSubcoreMesh(core_axis_name="c", subcore_axis_name="s")


@functools.partial(
    pl.kernel,
    out_type=jax.ShapeDtypeStruct((B_TOTAL, EMBED_DIM), jnp.float32),
    mesh=_mesh,
    scratch_types=[
        pltpu.VMEM((N_CHUNKS, CHUNK), jnp.int32),
        [pltpu.VMEM((CHUNK, EMBED_DIM), jnp.float32)] * NBUF,
        [pltpu.SemaphoreType.DMA] * NBUF,
        [pltpu.SemaphoreType.DMA] * NBUF,
    ],
)
def _gather_kernel(idx_hbm, table_hbm, out_hbm, idx_v, rows, gsems, osems):
    wid = lax.axis_index("s") * NUM_CORES + lax.axis_index("c")
    base = pl.multiple_of(wid * PER_WORKER, CHUNK)
    pltpu.sync_copy(idx_hbm.at[wid], idx_v)

    def start_gather(j, b):
        pltpu.async_copy(table_hbm.at[idx_v.at[j]], rows[b], gsems[b])

    def wait_gather(j, b):
        pltpu.make_async_copy(
            table_hbm.at[idx_v.at[j]], rows[b], gsems[b]).wait()

    def start_out(j, b):
        off = pl.multiple_of(base + j * CHUNK, CHUNK)
        pltpu.async_copy(rows[b], out_hbm.at[pl.ds(off, CHUNK)], osems[b])

    def wait_out(b):
        pltpu.make_async_copy(
            rows[b], out_hbm.at[pl.ds(0, CHUNK)], osems[b]).wait()

    for k in range(NBUF - 1):
        start_gather(k, k)

    def body(i, carry):
        o = i * NBUF
        for b in range(NBUF):
            j = o + b
            bn = (b - 1) % NBUF

            @pl.when(j >= 1)
            def _wait_prev_out():
                wait_out(bn)

            @pl.when(j + NBUF - 1 < N_CHUNKS)
            def _start_next_gather():
                start_gather(j + NBUF - 1, bn)

            wait_gather(j, b)
            start_out(j, b)
        return carry

    lax.fori_loop(0, N_MAIN // NBUF, body, 0)

    for j in range(N_MAIN, N_CHUNKS):
        wait_out((j - 1) % NBUF)
        wait_gather(j, j % NBUF)
        start_out(j, j % NBUF)

    wait_out((N_CHUNKS - 1) % NBUF)


def kernel(inputs, w):
    idx = inputs.astype(jnp.int32).reshape(NUM_WORKERS, N_CHUNKS, CHUNK)
    out = _gather_kernel(idx, w)
    return out.reshape(BATCH, HIST, EMBED_DIM)

# --- scband reference (transcript-rebuilt; emitter-appended) ---
"""Pipeline reference for scband-encoder-decoder-32753420600063 (READ-ONLY COPY).

The authoritative reference and input builder live on the scoring server;
editing this copy changes nothing except your own understanding.
"""

import jax, jax.numpy as jnp
import numpy as np

VOCAB = 100000
EMBED_DIM = 128
BATCH = 1024
HIST = 200

def setup_inputs(seed: int = 0) -> dict:
    key = jax.random.key(seed)
    k_idx, k_w = jax.random.split(key)
    inputs = jax.random.randint(k_idx, (BATCH, HIST), 0, VOCAB, dtype=jnp.int64 if jax.config.jax_enable_x64 else jnp.int32)
    w = jax.random.normal(k_w, (VOCAB, EMBED_DIM), dtype=jnp.float32) * 0.02
    return {"inputs": inputs, "w": w}

def reference(inputs, w):
    # training=False path: mask is all ones
    mask = jnp.ones((VOCAB, EMBED_DIM), dtype=jnp.float32)
    weights = w * mask
    return jnp.take(weights, inputs, axis=0)

if __name__ == "__main__":
    import jax
    _d = setup_inputs()
    print(jax.jit(kernel)(*tuple(_d.values())))

</pallas_src>

<mosaic_0001>
#map = affine_map<(d0, d1) -> (0, 0, 0)>
#map1 = affine_map<(d0, d1) -> (0, 0)>
module attributes {stable_mosaic.version = 14 : i64} {
  func.func @_gather_kernel(%arg0: i32, %arg1: i32, %arg2: memref<32x50x128xi32, #tpu.memory_space<hbm>>, %arg3: memref<100000x128xf32, #tpu.memory_space<hbm>>, %arg4: memref<204800x128xf32, #tpu.memory_space<hbm>>, %arg5: memref<50x128xi32, #tpu.memory_space<vmem>>, %arg6: memref<128x128xf32, #tpu.memory_space<vmem>>, %arg7: memref<128x128xf32, #tpu.memory_space<vmem>>, %arg8: memref<128x128xf32, #tpu.memory_space<vmem>>, %arg9: memref<128x128xf32, #tpu.memory_space<vmem>>, %arg10: memref<128x128xf32, #tpu.memory_space<vmem>>, %arg11: memref<128x128xf32, #tpu.memory_space<vmem>>, %arg12: memref<128x128xf32, #tpu.memory_space<vmem>>, %arg13: memref<!tpu.dma_semaphore, #tpu.memory_space<semaphore_mem>>, %arg14: memref<!tpu.dma_semaphore, #tpu.memory_space<semaphore_mem>>, %arg15: memref<!tpu.dma_semaphore, #tpu.memory_space<semaphore_mem>>, %arg16: memref<!tpu.dma_semaphore, #tpu.memory_space<semaphore_mem>>, %arg17: memref<!tpu.dma_semaphore, #tpu.memory_space<semaphore_mem>>, %arg18: memref<!tpu.dma_semaphore, #tpu.memory_space<semaphore_mem>>, %arg19: memref<!tpu.dma_semaphore, #tpu.memory_space<semaphore_mem>>, %arg20: memref<!tpu.dma_semaphore, #tpu.memory_space<semaphore_mem>>, %arg21: memref<!tpu.dma_semaphore, #tpu.memory_space<semaphore_mem>>, %arg22: memref<!tpu.dma_semaphore, #tpu.memory_space<semaphore_mem>>, %arg23: memref<!tpu.dma_semaphore, #tpu.memory_space<semaphore_mem>>, %arg24: memref<!tpu.dma_semaphore, #tpu.memory_space<semaphore_mem>>, %arg25: memref<!tpu.dma_semaphore, #tpu.memory_space<semaphore_mem>>, %arg26: memref<!tpu.dma_semaphore, #tpu.memory_space<semaphore_mem>>) attributes {dimension_semantics = [#tpu.dimension_semantics<core_parallel>, #tpu.dimension_semantics<subcore_parallel>], iteration_bounds = array<i64: 2, 16>, scalar_prefetch = 0 : i64, scratch_operands = 22 : i64, tpu.core_type = #tpu.core_type<sc_vector_subcore>, window_params = [{transform_indices = #map}, {transform_indices = #map1}, {transform_indices = #map1}]} {
    %mul3A = arith.constant 2 : i32
    %mul3A_0 = arith.muli %arg1, %mul3A : i32
    %add3A = arith.addi %mul3A_0, %arg0 : i32
    %mul3A_1 = arith.constant 6400 : i32
    %mul3A_2 = arith.muli %add3A, %mul3A_1 : i32
    %multiple_of3A = tpu.assume_multiple %mul3A_2, 128 : i32
    "tpu.region"() ({
      %run_scoped3A = tpu.sem_alloc : memref<!tpu.dma_semaphore, #tpu.memory_space<semaphore_mem>>
      %dma_start3A_74 = arith.constant 0 : i32
      %dma_start3A_75 = arith.constant 0 : i32
      %dma_start3A_76 = tpu.memref_slice %arg2[%add3A, %dma_start3A_74, %dma_start3A_75] : memref<32x50x128xi32, #tpu.memory_space<hbm>> -> memref<1x50x128xi32, #tpu.memory_space<hbm>>
      %dma_start3A_77 = tpu.memref_squeeze %dma_start3A_76 : memref<1x50x128xi32, #tpu.memory_space<hbm>> -> memref<50x128xi32, #tpu.memory_space<hbm>>
      %dma_start3A_78 = arith.constant 0 : i32
      %dma_start3A_79 = arith.constant 0 : i32
      %dma_start3A_80 = tpu.memref_slice %arg2[%add3A, %dma_start3A_78, %dma_start3A_79] : memref<32x50x128xi32, #tpu.memory_space<hbm>> -> memref<1x50x128xi32, #tpu.memory_space<hbm>>
      %dma_start3A_81 = tpu.memref_squeeze %dma_start3A_80 : memref<1x50x128xi32, #tpu.memory_space<hbm>> -> memref<50x128xi32, #tpu.memory_space<hbm>>
      tpu.enqueue_dma source(%dma_start3A_81 : memref<50x128xi32, #tpu.memory_space<hbm>>) target(%arg5 : memref<50x128xi32, #tpu.memory_space<vmem>>) target_semaphore(%run_scoped3A : memref<!tpu.dma_semaphore, #tpu.memory_space<semaphore_mem>>)
      %dma_wait3A_82 = arith.constant 0 : i32
      %dma_wait3A_83 = arith.constant 0 : i32
      %dma_wait3A_84 = tpu.memref_slice %arg2[%add3A, %dma_wait3A_82, %dma_wait3A_83] : memref<32x50x128xi32, #tpu.memory_space<hbm>> -> memref<1x50x128xi32, #tpu.memory_space<hbm>>
      %dma_wait3A_85 = tpu.memref_squeeze %dma_wait3A_84 : memref<1x50x128xi32, #tpu.memory_space<hbm>> -> memref<50x128xi32, #tpu.memory_space<hbm>>
      %dma_wait3A_86 = arith.constant 0 : i32
      %dma_wait3A_87 = arith.constant 0 : i32
      %dma_wait3A_88 = tpu.memref_slice %arg2[%add3A, %dma_wait3A_86, %dma_wait3A_87] : memref<32x50x128xi32, #tpu.memory_space<hbm>> -> memref<1x50x128xi32, #tpu.memory_space<hbm>>
      %dma_wait3A_89 = tpu.memref_squeeze %dma_wait3A_88 : memref<1x50x128xi32, #tpu.memory_space<hbm>> -> memref<50x128xi32, #tpu.memory_space<hbm>>
      tpu.wait_dma2 semaphore(%run_scoped3A : memref<!tpu.dma_semaphore, #tpu.memory_space<semaphore_mem>>) src(%dma_wait3A_89 : memref<50x128xi32, #tpu.memory_space<hbm>>) dst(%arg5 : memref<50x128xi32, #tpu.memory_space<vmem>>)
      tpu.yield
    }) : () -> ()
    %dma_start3A = arith.constant 0 : i32
    %dma_start3A_3 = arith.constant 0 : i32
    %dma_start3A_4 = tpu.memref_slice %arg5[%dma_start3A, %dma_start3A_3] : memref<50x128xi32, #tpu.memory_space<vmem>> -> memref<1x128xi32, #tpu.memory_space<vmem>>
    %dma_start3A_5 = tpu.memref_squeeze %dma_start3A_4 : memref<1x128xi32, #tpu.memory_space<vmem>> -> memref<128xi32, #tpu.memory_space<vmem>>
    %dma_start3A_6 = arith.constant 0 : i32
    %dma_start3A_7 = arith.constant 0 : i32
    %dma_start3A_8 = tpu.memref_slice %arg3[%dma_start3A_6, %dma_start3A_7] : memref<100000x128xf32, #tpu.memory_space<hbm>> -> memref<100000x128xf32, #tpu.memory_space<hbm>>
    tpu.enqueue_indirect_dma source(%dma_start3A_8 : memref<100000x128xf32, #tpu.memory_space<hbm>>) target(%arg6 : memref<128x128xf32, #tpu.memory_space<vmem>>) offsets(%dma_start3A_5 : memref<128xi32, #tpu.memory_space<vmem>>) semaphore(%arg13 : memref<!tpu.dma_semaphore, #tpu.memory_space<semaphore_mem>>)
    %dma_start3A_9 = arith.constant 1 : i32
    %dma_start3A_10 = arith.constant 0 : i32
    %dma_start3A_11 = tpu.memref_slice %arg5[%dma_start3A_9, %dma_start3A_10] : memref<50x128xi32, #tpu.memory_space<vmem>> -> memref<1x128xi32, #tpu.memory_space<vmem>>
    %dma_start3A_12 = tpu.memref_squeeze %dma_start3A_11 : memref<1x128xi32, #tpu.memory_space<vmem>> -> memref<128xi32, #tpu.memory_space<vmem>>
    %dma_start3A_13 = arith.constant 0 : i32
    %dma_start3A_14 = arith.constant 0 : i32
    %dma_start3A_15 = tpu.memref_slice %arg3[%dma_start3A_13, %dma_start3A_14] : memref<100000x128xf32, #tpu.memory_space<hbm>> -> memref<100000x128xf32, #tpu.memory_space<hbm>>
    tpu.enqueue_indirect_dma source(%dma_start3A_15 : memref<100000x128xf32, #tpu.memory_space<hbm>>) target(%arg7 : memref<128x128xf32, #tpu.memory_space<vmem>>) offsets(%dma_start3A_12 : memref<128xi32, #tpu.memory_space<vmem>>) semaphore(%arg14 : memref<!tpu.dma_semaphore, #tpu.memory_space<semaphore_mem>>)
    %dma_start3A_16 = arith.constant 2 : i32
    %dma_start3A_17 = arith.constant 0 : i32
    %dma_start3A_18 = tpu.memref_slice %arg5[%dma_start3A_16, %dma_start3A_17] : memref<50x128xi32, #tpu.memory_space<vmem>> -> memref<1x128xi32, #tpu.memory_space<vmem>>
    %dma_start3A_19 = tpu.memref_squeeze %dma_start3A_18 : memref<1x128xi32, #tpu.memory_space<vmem>> -> memref<128xi32, #tpu.memory_space<vmem>>
    %dma_start3A_20 = arith.constant 0 : i32
    %dma_start3A_21 = arith.constant 0 : i32
    %dma_start3A_22 = tpu.memref_slice %arg3[%dma_start3A_20, %dma_start3A_21] : memref<100000x128xf32, #tpu.memory_space<hbm>> -> memref<100000x128xf32, #tpu.memory_space<hbm>>
    tpu.enqueue_indirect_dma source(%dma_start3A_22 : memref<100000x128xf32, #tpu.memory_space<hbm>>) target(%arg8 : memref<128x128xf32, #tpu.memory_space<vmem>>) offsets(%dma_start3A_19 : memref<128xi32, #tpu.memory_space<vmem>>) semaphore(%arg15 : memref<!tpu.dma_semaphore, #tpu.memory_space<semaphore_mem>>)
    %dma_start3A_23 = arith.constant 3 : i32
    %dma_start3A_24 = arith.constant 0 : i32
    %dma_start3A_25 = tpu.memref_slice %arg5[%dma_start3A_23, %dma_start3A_24] : memref<50x128xi32, #tpu.memory_space<vmem>> -> memref<1x128xi32, #tpu.memory_space<vmem>>
    %dma_start3A_26 = tpu.memref_squeeze %dma_start3A_25 : memref<1x128xi32, #tpu.memory_space<vmem>> -> memref<128xi32, #tpu.memory_space<vmem>>
    %dma_start3A_27 = arith.constant 0 : i32
    %dma_start3A_28 = arith.constant 0 : i32
    %dma_start3A_29 = tpu.memref_slice %arg3[%dma_start3A_27, %dma_start3A_28] : memref<100000x128xf32, #tpu.memory_space<hbm>> -> memref<100000x128xf32, #tpu.memory_space<hbm>>
    tpu.enqueue_indirect_dma source(%dma_start3A_29 : memref<100000x128xf32, #tpu.memory_space<hbm>>) target(%arg9 : memref<128x128xf32, #tpu.memory_space<vmem>>) offsets(%dma_start3A_26 : memref<128xi32, #tpu.memory_space<vmem>>) semaphore(%arg16 : memref<!tpu.dma_semaphore, #tpu.memory_space<semaphore_mem>>)
    %dma_start3A_30 = arith.constant 4 : i32
    %dma_start3A_31 = arith.constant 0 : i32
    %dma_start3A_32 = tpu.memref_slice %arg5[%dma_start3A_30, %dma_start3A_31] : memref<50x128xi32, #tpu.memory_space<vmem>> -> memref<1x128xi32, #tpu.memory_space<vmem>>
    %dma_start3A_33 = tpu.memref_squeeze %dma_start3A_32 : memref<1x128xi32, #tpu.memory_space<vmem>> -> memref<128xi32, #tpu.memory_space<vmem>>
    %dma_start3A_34 = arith.constant 0 : i32
    %dma_start3A_35 = arith.constant 0 : i32
    %dma_start3A_36 = tpu.memref_slice %arg3[%dma_start3A_34, %dma_start3A_35] : memref<100000x128xf32, #tpu.memory_space<hbm>> -> memref<100000x128xf32, #tpu.memory_space<hbm>>
    tpu.enqueue_indirect_dma source(%dma_start3A_36 : memref<100000x128xf32, #tpu.memory_space<hbm>>) target(%arg10 : memref<128x128xf32, #tpu.memory_space<vmem>>) offsets(%dma_start3A_33 : memref<128xi32, #tpu.memory_space<vmem>>) semaphore(%arg17 : memref<!tpu.dma_semaphore, #tpu.memory_space<semaphore_mem>>)
    %dma_start3A_37 = arith.constant 5 : i32
    %dma_start3A_38 = arith.constant 0 : i32
    %dma_start3A_39 = tpu.memref_slice %arg5[%dma_start3A_37, %dma_start3A_38] : memref<50x128xi32, #tpu.memory_space<vmem>> -> memref<1x128xi32, #tpu.memory_space<vmem>>
    %dma_start3A_40 = tpu.memref_squeeze %dma_start3A_39 : memref<1x128xi32, #tpu.memory_space<vmem>> -> memref<128xi32, #tpu.memory_space<vmem>>
    %dma_start3A_41 = arith.constant 0 : i32
    %dma_start3A_42 = arith.constant 0 : i32
    %dma_start3A_43 = tpu.memref_slice %arg3[%dma_start3A_41, %dma_start3A_42] : memref<100000x128xf32, #tpu.memory_space<hbm>> -> memref<100000x128xf32, #tpu.memory_space<hbm>>
    tpu.enqueue_indirect_dma source(%dma_start3A_43 : memref<100000x128xf32, #tpu.memory_space<hbm>>) target(%arg11 : memref<128x128xf32, #tpu.memory_space<vmem>>) offsets(%dma_start3A_40 : memref<128xi32, #tpu.memory_space<vmem>>) semaphore(%arg18 : memref<!tpu.dma_semaphore, #tpu.memory_space<semaphore_mem>>)
    %scan3A = arith.constant 0 : i32
    %scan3A_44 = arith.constant 0 : i32
    %scan3A_45 = arith.constant 7 : i32
    %scan3A_46 = arith.addi %scan3A_44, %scan3A_45 : i32
    %scan3A_47 = arith.constant 1 : i32
    scf.for %scan3A_74 = %scan3A_44 to %scan3A_46 step %scan3A_47  : i32 {
      %mul3A_75 = arith.constant 7 : i32
      %mul3A_76 = arith.muli %scan3A_74, %mul3A_75 : i32
      %add3A_77 = arith.constant 0 : i32
      %add3A_78 = arith.addi %mul3A_76, %add3A_77 : i32
      %ge3A = arith.constant 1 : i32
      %ge3A_79 = arith.cmpi sge, %add3A_78, %ge3A : i32
      %convert_element_type3A = arith.extui %ge3A_79 : i1 to i32
      %cond3A = arith.constant 0 : i32
      %cond3A_80 = arith.cmpi ne, %convert_element_type3A, %cond3A : i32
      scf.if %cond3A_80 {
        %dma_wait3A_282 = arith.constant 0 : i32
        %dma_wait3A_283 = arith.constant 0 : i32
        %dma_wait3A_284 = tpu.memref_slice %arg4[%dma_wait3A_282, %dma_wait3A_283] : memref<204800x128xf32, #tpu.memory_space<hbm>> -> memref<128x128xf32, #tpu.memory_space<hbm>>
        %dma_wait3A_285 = arith.constant 0 : i32
        %dma_wait3A_286 = arith.constant 0 : i32
        %dma_wait3A_287 = tpu.memref_slice %arg4[%dma_wait3A_285, %dma_wait3A_286] : memref<204800x128xf32, #tpu.memory_space<hbm>> -> memref<128x128xf32, #tpu.memory_space<hbm>>
        tpu.wait_dma2 semaphore(%arg26 : memref<!tpu.dma_semaphore, #tpu.memory_space<semaphore_mem>>) src(%arg12 : memref<128x128xf32, #tpu.memory_space<vmem>>) dst(%dma_wait3A_287 : memref<128x128xf32, #tpu.memory_space<hbm>>)
      } else {
      }
      %add3A_81 = arith.constant 7 : i32
      %add3A_82 = arith.addi %add3A_78, %add3A_81 : i32
      %sub3A = arith.constant 1 : i32
      %sub3A_83 = arith.subi %add3A_82, %sub3A : i32
      %lt3A = arith.constant 50 : i32
      %lt3A_84 = arith.cmpi slt, %sub3A_83, %lt3A : i32
      %convert_element_type3A_85 = arith.extui %lt3A_84 : i1 to i32
      %cond3A_86 = arith.constant 0 : i32
      %cond3A_87 = arith.cmpi ne, %convert_element_type3A_85, %cond3A_86 : i32
      scf.if %cond3A_87 {
        %add3A_282 = arith.constant 7 : i32
        %add3A_283 = arith.addi %add3A_78, %add3A_282 : i32
        %sub3A_284 = arith.constant 1 : i32
        %sub3A_285 = arith.subi %add3A_283, %sub3A_284 : i32
        %dma_start3A_286 = arith.constant 0 : i32
        %dma_start3A_287 = tpu.memref_slice %arg5[%sub3A_285, %dma_start3A_286] : memref<50x128xi32, #tpu.memory_space<vmem>> -> memref<1x128xi32, #tpu.memory_space<vmem>>
        %dma_start3A_288 = tpu.memref_squeeze %dma_start3A_287 : memref<1x128xi32, #tpu.memory_space<vmem>> -> memref<128xi32, #tpu.memory_space<vmem>>
        %dma_start3A_289 = arith.constant 0 : i32
        %dma_start3A_290 = arith.constant 0 : i32
        %dma_start3A_291 = tpu.memref_slice %arg3[%dma_start3A_289, %dma_start3A_290] : memref<100000x128xf32, #tpu.memory_space<hbm>> -> memref<100000x128xf32, #tpu.memory_space<hbm>>
        tpu.enqueue_indirect_dma source(%dma_start3A_291 : memref<100000x128xf32, #tpu.memory_space<hbm>>) target(%arg12 : memref<128x128xf32, #tpu.memory_space<vmem>>) offsets(%dma_start3A_288 : memref<128xi32, #tpu.memory_space<vmem>>) semaphore(%arg19 : memref<!tpu.dma_semaphore, #tpu.memory_space<semaphore_mem>>)
      } else {
      }
      %dma_wait3A_88 = arith.constant 0 : i32
      %dma_wait3A_89 = tpu.memref_slice %arg5[%add3A_78, %dma_wait3A_88] : memref<50x128xi32, #tpu.memory_space<vmem>> -> memref<1x128xi32, #tpu.memory_space<vmem>>
      %dma_wait3A_90 = tpu.memref_squeeze %dma_wait3A_89 : memref<1x128xi32, #tpu.memory_space<vmem>> -> memref<128xi32, #tpu.memory_space<vmem>>
      %dma_wait3A_91 = arith.constant 0 : i32
      %dma_wait3A_92 = arith.constant 0 : i32
      %dma_wait3A_93 = tpu.memref_slice %arg3[%dma_wait3A_91, %dma_wait3A_92] : memref<100000x128xf32, #tpu.memory_space<hbm>> -> memref<100000x128xf32, #tpu.memory_space<hbm>>
      tpu.wait_indirect_dma semaphore(%arg13 : memref<!tpu.dma_semaphore, #tpu.memory_space<semaphore_mem>>) src(%dma_wait3A_93 : memref<100000x128xf32, #tpu.memory_space<hbm>>) dst(%arg6 : memref<128x128xf32, #tpu.memory_space<vmem>>)
      %mul3A_94 = arith.constant 128 : i32
      %mul3A_95 = arith.muli %add3A_78, %mul3A_94 : i32
      %add3A_96 = arith.addi %multiple_of3A, %mul3A_95 : i32
      %multiple_of3A_97 = tpu.assume_multiple %add3A_96, 128 : i32
      %dma_start3A_98 = arith.constant 0 : i32
      %dma_start3A_99 = tpu.memref_slice %arg4[%multiple_of3A_97, %dma_start3A_98] : memref<204800x128xf32, #tpu.memory_space<hbm>> -> memref<128x128xf32, #tpu.memory_space<hbm>>
      %dma_start3A_100 = arith.constant 0 : i32
      %dma_start3A_101 = tpu.memref_slice %arg4[%multiple_of3A_97, %dma_start3A_100] : memref<204800x128xf32, #tpu.memory_space<hbm>> -> memref<128x128xf32, #tpu.memory_space<hbm>>
      tpu.enqueue_dma source(%arg6 : memref<128x128xf32, #tpu.memory_space<vmem>>) target(%dma_start3A_101 : memref<128x128xf32, #tpu.memory_space<hbm>>) target_semaphore(%arg20 : memref<!tpu.dma_semaphore, #tpu.memory_space<semaphore_mem>>)
      %add3A_102 = arith.constant 1 : i32
      %add3A_103 = arith.addi %mul3A_76, %add3A_102 : i32
      %ge3A_104 = arith.constant 1 : i32
      %ge3A_105 = arith.cmpi sge, %add3A_103, %ge3A_104 : i32
      %convert_element_type3A_106 = arith.extui %ge3A_105 : i1 to i32
      %cond3A_107 = arith.constant 0 : i32
      %cond3A_108 = arith.cmpi ne, %convert_element_type3A_106, %cond3A_107 : i32
      scf.if %cond3A_108 {
        %dma_wait3A_282 = arith.constant 0 : i32
        %dma_wait3A_283 = arith.constant 0 : i32
        %dma_wait3A_284 = tpu.memref_slice %arg4[%dma_wait3A_282, %dma_wait3A_283] : memref<204800x128xf32, #tpu.memory_space<hbm>> -> memref<128x128xf32, #tpu.memory_space<hbm>>
        %dma_wait3A_285 = arith.constant 0 : i32
        %dma_wait3A_286 = arith.constant 0 : i32
        %dma_wait3A_287 = tpu.memref_slice %arg4[%dma_wait3A_285, %dma_wait3A_286] : memref<204800x128xf32, #tpu.memory_space<hbm>> -> memref<128x128xf32, #tpu.memory_space<hbm>>
        tpu.wait_dma2 semaphore(%arg20 : memref<!tpu.dma_semaphore, #tpu.memory_space<semaphore_mem>>) src(%arg6 : memref<128x128xf32, #tpu.memory_space<vmem>>) dst(%dma_wait3A_287 : memref<128x128xf32, #tpu.memory_space<hbm>>)
      } else {
      }
      %add3A_109 = arith.constant 7 : i32
      %add3A_110 = arith.addi %add3A_103, %add3A_109 : i32
      %sub3A_111 = arith.constant 1 : i32
      %sub3A_112 = arith.subi %add3A_110, %sub3A_111 : i32
      %lt3A_113 = arith.constant 50 : i32
      %lt3A_114 = arith.cmpi slt, %sub3A_112, %lt3A_113 : i32
      %convert_element_type3A_115 = arith.extui %lt3A_114 : i1 to i32
      %cond3A_116 = arith.constant 0 : i32
      %cond3A_117 = arith.cmpi ne, %convert_element_type3A_115, %cond3A_116 : i32
      scf.if %cond3A_117 {
        %add3A_282 = arith.constant 7 : i32
        %add3A_283 = arith.addi %add3A_103, %add3A_282 : i32
        %sub3A_284 = arith.constant 1 : i32
        %sub3A_285 = arith.subi %add3A_283, %sub3A_284 : i32
        %dma_start3A_286 = arith.constant 0 : i32
        %dma_start3A_287 = tpu.memref_slice %arg5[%sub3A_285, %dma_start3A_286] : memref<50x128xi32, #tpu.memory_space<vmem>> -> memref<1x128xi32, #tpu.memory_space<vmem>>
        %dma_start3A_288 = tpu.memref_squeeze %dma_start3A_287 : memref<1x128xi32, #tpu.memory_space<vmem>> -> memref<128xi32, #tpu.memory_space<vmem>>
        %dma_start3A_289 = arith.constant 0 : i32
        %dma_start3A_290 = arith.constant 0 : i32
        %dma_start3A_291 = tpu.memref_slice %arg3[%dma_start3A_289, %dma_start3A_290] : memref<100000x128xf32, #tpu.memory_space<hbm>> -> memref<100000x128xf32, #tpu.memory_space<hbm>>
        tpu.enqueue_indirect_dma source(%dma_start3A_291 : memref<100000x128xf32, #tpu.memory_space<hbm>>) target(%arg6 : memref<128x128xf32, #tpu.memory_space<vmem>>) offsets(%dma_start3A_288 : memref<128xi32, #tpu.memory_space<vmem>>) semaphore(%arg13 : memref<!tpu.dma_semaphore, #tpu.memory_space<semaphore_mem>>)
      } else {
      }
      %dma_wait3A_118 = arith.constant 0 : i32
      %dma_wait3A_119 = tpu.memref_slice %arg5[%add3A_103, %dma_wait3A_118] : memref<50x128xi32, #tpu.memory_space<vmem>> -> memref<1x128xi32, #tpu.memory_space<vmem>>
      %dma_wait3A_120 = tpu.memref_squeeze %dma_wait3A_119 : memref<1x128xi32, #tpu.memory_space<vmem>> -> memref<128xi32, #tpu.memory_space<vmem>>
      %dma_wait3A_121 = arith.constant 0 : i32
      %dma_wait3A_122 = arith.constant 0 : i32
      %dma_wait3A_123 = tpu.memref_slice %arg3[%dma_wait3A_121, %dma_wait3A_122] : memref<100000x128xf32, #tpu.memory_space<hbm>> -> memref<100000x128xf32, #tpu.memory_space<hbm>>
      tpu.wait_indirect_dma semaphore(%arg14 : memref<!tpu.dma_semaphore, #tpu.memory_space<semaphore_mem>>) src(%dma_wait3A_123 : memref<100000x128xf32, #tpu.memory_space<hbm>>) dst(%arg7 : memref<128x128xf32, #tpu.memory_space<vmem>>)
      %mul3A_124 = arith.constant 128 : i32
      %mul3A_125 = arith.muli %add3A_103, %mul3A_124 : i32
      %add3A_126 = arith.addi %multiple_of3A, %mul3A_125 : i32
      %multiple_of3A_127 = tpu.assume_multiple %add3A_126, 128 : i32
      %dma_start3A_128 = arith.constant 0 : i32
      %dma_start3A_129 = tpu.memref_slice %arg4[%multiple_of3A_127, %dma_start3A_128] : memref<204800x128xf32, #tpu.memory_space<hbm>> -> memref<128x128xf32, #tpu.memory_space<hbm>>
      %dma_start3A_130 = arith.constant 0 : i32
      %dma_start3A_131 = tpu.memref_slice %arg4[%multiple_of3A_127, %dma_start3A_130] : memref<204800x128xf32, #tpu.memory_space<hbm>> -> memref<128x128xf32, #tpu.memory_space<hbm>>
      tpu.enqueue_dma source(%arg7 : memref<128x128xf32, #tpu.memory_space<vmem>>) target(%dma_start3A_131 : memref<128x128xf32, #tpu.memory_space<hbm>>) target_semaphore(%arg21 : memref<!tpu.dma_semaphore, #tpu.memory_space<semaphore_mem>>)
      %add3A_132 = arith.constant 2 : i32
      %add3A_133 = arith.addi %mul3A_76, %add3A_132 : i32
      %ge3A_134 = arith.constant 1 : i32
      %ge3A_135 = arith.cmpi sge, %add3A_133, %ge3A_134 : i32
      %convert_element_type3A_136 = arith.extui %ge3A_135 : i1 to i32
      %cond3A_137 = arith.constant 0 : i32
      %cond3A_138 = arith.cmpi ne, %convert_element_type3A_136, %cond3A_137 : i32
      scf.if %cond3A_138 {
        %dma_wait3A_282 = arith.constant 0 : i32
        %dma_wait3A_283 = arith.constant 0 : i32
        %dma_wait3A_284 = tpu.memref_slice %arg4[%dma_wait3A_282, %dma_wait3A_283] : memref<204800x128xf32, #tpu.memory_space<hbm>> -> memref<128x128xf32, #tpu.memory_space<hbm>>
        %dma_wait3A_285 = arith.constant 0 : i32
        %dma_wait3A_286 = arith.constant 0 : i32
        %dma_wait3A_287 = tpu.memref_slice %arg4[%dma_wait3A_285, %dma_wait3A_286] : memref<204800x128xf32, #tpu.memory_space<hbm>> -> memref<128x128xf32, #tpu.memory_space<hbm>>
        tpu.wait_dma2 semaphore(%arg21 : memref<!tpu.dma_semaphore, #tpu.memory_space<semaphore_mem>>) src(%arg7 : memref<128x128xf32, #tpu.memory_space<vmem>>) dst(%dma_wait3A_287 : memref<128x128xf32, #tpu.memory_space<hbm>>)
      } else {
      }
      %add3A_139 = arith.constant 7 : i32
      %add3A_140 = arith.addi %add3A_133, %add3A_139 : i32
      %sub3A_141 = arith.constant 1 : i32
      %sub3A_142 = arith.subi %add3A_140, %sub3A_141 : i32
      %lt3A_143 = arith.constant 50 : i32
      %lt3A_144 = arith.cmpi slt, %sub3A_142, %lt3A_143 : i32
      %convert_element_type3A_145 = arith.extui %lt3A_144 : i1 to i32
      %cond3A_146 = arith.constant 0 : i32
      %cond3A_147 = arith.cmpi ne, %convert_element_type3A_145, %cond3A_146 : i32
      scf.if %cond3A_147 {
        %add3A_282 = arith.constant 7 : i32
        %add3A_283 = arith.addi %add3A_133, %add3A_282 : i32
        %sub3A_284 = arith.constant 1 : i32
        %sub3A_285 = arith.subi %add3A_283, %sub3A_284 : i32
        %dma_start3A_286 = arith.constant 0 : i32
        %dma_start3A_287 = tpu.memref_slice %arg5[%sub3A_285, %dma_start3A_286] : memref<50x128xi32, #tpu.memory_space<vmem>> -> memref<1x128xi32, #tpu.memory_space<vmem>>
        %dma_start3A_288 = tpu.memref_squeeze %dma_start3A_287 : memref<1x128xi32, #tpu.memory_space<vmem>> -> memref<128xi32, #tpu.memory_space<vmem>>
        %dma_start3A_289 = arith.constant 0 : i32
        %dma_start3A_290 = arith.constant 0 : i32
        %dma_start3A_291 = tpu.memref_slice %arg3[%dma_start3A_289, %dma_start3A_290] : memref<100000x128xf32, #tpu.memory_space<hbm>> -> memref<100000x128xf32, #tpu.memory_space<hbm>>
        tpu.enqueue_indirect_dma source(%dma_start3A_291 : memref<100000x128xf32, #tpu.memory_space<hbm>>) target(%arg7 : memref<128x128xf32, #tpu.memory_space<vmem>>) offsets(%dma_start3A_288 : memref<128xi32, #tpu.memory_space<vmem>>) semaphore(%arg14 : memref<!tpu.dma_semaphore, #tpu.memory_space<semaphore_mem>>)
      } else {
      }
      %dma_wait3A_148 = arith.constant 0 : i32
      %dma_wait3A_149 = tpu.memref_slice %arg5[%add3A_133, %dma_wait3A_148] : memref<50x128xi32, #tpu.memory_space<vmem>> -> memref<1x128xi32, #tpu.memory_space<vmem>>
      %dma_wait3A_150 = tpu.memref_squeeze %dma_wait3A_149 : memref<1x128xi32, #tpu.memory_space<vmem>> -> memref<128xi32, #tpu.memory_space<vmem>>
      %dma_wait3A_151 = arith.constant 0 : i32
      %dma_wait3A_152 = arith.constant 0 : i32
      %dma_wait3A_153 = tpu.memref_slice %arg3[%dma_wait3A_151, %dma_wait3A_152] : memref<100000x128xf32, #tpu.memory_space<hbm>> -> memref<100000x128xf32, #tpu.memory_space<hbm>>
      tpu.wait_indirect_dma semaphore(%arg15 : memref<!tpu.dma_semaphore, #tpu.memory_space<semaphore_mem>>) src(%dma_wait3A_153 : memref<100000x128xf32, #tpu.memory_space<hbm>>) dst(%arg8 : memref<128x128xf32, #tpu.memory_space<vmem>>)
      %mul3A_154 = arith.constant 128 : i32
      %mul3A_155 = arith.muli %add3A_133, %mul3A_154 : i32
      %add3A_156 = arith.addi %multiple_of3A, %mul3A_155 : i32
      %multiple_of3A_157 = tpu.assume_multiple %add3A_156, 128 : i32
      %dma_start3A_158 = arith.constant 0 : i32
      %dma_start3A_159 = tpu.memref_slice %arg4[%multiple_of3A_157, %dma_start3A_158] : memref<204800x128xf32, #tpu.memory_space<hbm>> -> memref<128x128xf32, #tpu.memory_space<hbm>>
      %dma_start3A_160 = arith.constant 0 : i32
      %dma_start3A_161 = tpu.memref_slice %arg4[%multiple_of3A_157, %dma_start3A_160] : memref<204800x128xf32, #tpu.memory_space<hbm>> -> memref<128x128xf32, #tpu.memory_space<hbm>>
      tpu.enqueue_dma source(%arg8 : memref<128x128xf32, #tpu.memory_space<vmem>>) target(%dma_start3A_161 : memref<128x128xf32, #tpu.memory_space<hbm>>) target_semaphore(%arg22 : memref<!tpu.dma_semaphore, #tpu.memory_space<semaphore_mem>>)
      %add3A_162 = arith.constant 3 : i32
      %add3A_163 = arith.addi %mul3A_76, %add3A_162 : i32
      %ge3A_164 = arith.constant 1 : i32
      %ge3A_165 = arith.cmpi sge, %add3A_163, %ge3A_164 : i32
      %convert_element_type3A_166 = arith.extui %ge3A_165 : i1 to i32
      %cond3A_167 = arith.constant 0 : i32
      %cond3A_168 = arith.cmpi ne, %convert_element_type3A_166, %cond3A_167 : i32
      scf.if %cond3A_168 {
        %dma_wait3A_282 = arith.constant 0 : i32
        %dma_wait3A_283 = arith.constant 0 : i32
        %dma_wait3A_284 = tpu.memref_slice %arg4[%dma_wait3A_282, %dma_wait3A_283] : memref<204800x128xf32, #tpu.memory_space<hbm>> -> memref<128x128xf32, #tpu.memory_space<hbm>>
        %dma_wait3A_285 = arith.constant 0 : i32
        %dma_wait3A_286 = arith.constant 0 : i32
        %dma_wait3A_287 = tpu.memref_slice %arg4[%dma_wait3A_285, %dma_wait3A_286] : memref<204800x128xf32, #tpu.memory_space<hbm>> -> memref<128x128xf32, #tpu.memory_space<hbm>>
        tpu.wait_dma2 semaphore(%arg22 : memref<!tpu.dma_semaphore, #tpu.memory_space<semaphore_mem>>) src(%arg8 : memref<128x128xf32, #tpu.memory_space<vmem>>) dst(%dma_wait3A_287 : memref<128x128xf32, #tpu.memory_space<hbm>>)
      } else {
      }
      %add3A_169 = arith.constant 7 : i32
      %add3A_170 = arith.addi %add3A_163, %add3A_169 : i32
      %sub3A_171 = arith.constant 1 : i32
      %sub3A_172 = arith.subi %add3A_170, %sub3A_171 : i32
      %lt3A_173 = arith.constant 50 : i32
      %lt3A_174 = arith.cmpi slt, %sub3A_172, %lt3A_173 : i32
      %convert_element_type3A_175 = arith.extui %lt3A_174 : i1 to i32
      %cond3A_176 = arith.constant 0 : i32
      %cond3A_177 = arith.cmpi ne, %convert_element_type3A_175, %cond3A_176 : i32
      scf.if %cond3A_177 {
        %add3A_282 = arith.constant 7 : i32
        %add3A_283 = arith.addi %add3A_163, %add3A_282 : i32
        %sub3A_284 = arith.constant 1 : i32
        %sub3A_285 = arith.subi %add3A_283, %sub3A_284 : i32
        %dma_start3A_286 = arith.constant 0 : i32
        %dma_start3A_287 = tpu.memref_slice %arg5[%sub3A_285, %dma_start3A_286] : memref<50x128xi32, #tpu.memory_space<vmem>> -> memref<1x128xi32, #tpu.memory_space<vmem>>
        %dma_start3A_288 = tpu.memref_squeeze %dma_start3A_287 : memref<1x128xi32, #tpu.memory_space<vmem>> -> memref<128xi32, #tpu.memory_space<vmem>>
        %dma_start3A_289 = arith.constant 0 : i32
        %dma_start3A_290 = arith.constant 0 : i32
        %dma_start3A_291 = tpu.memref_slice %arg3[%dma_start3A_289, %dma_start3A_290] : memref<100000x128xf32, #tpu.memory_space<hbm>> -> memref<100000x128xf32, #tpu.memory_space<hbm>>
        tpu.enqueue_indirect_dma source(%dma_start3A_291 : memref<100000x128xf32, #tpu.memory_space<hbm>>) target(%arg8 : memref<128x128xf32, #tpu.memory_space<vmem>>) offsets(%dma_start3A_288 : memref<128xi32, #tpu.memory_space<vmem>>) semaphore(%arg15 : memref<!tpu.dma_semaphore, #tpu.memory_space<semaphore_mem>>)
      } else {
      }
      %dma_wait3A_178 = arith.constant 0 : i32
      %dma_wait3A_179 = tpu.memref_slice %arg5[%add3A_163, %dma_wait3A_178] : memref<50x128xi32, #tpu.memory_space<vmem>> -> memref<1x128xi32, #tpu.memory_space<vmem>>
      %dma_wait3A_180 = tpu.memref_squeeze %dma_wait3A_179 : memref<1x128xi32, #tpu.memory_space<vmem>> -> memref<128xi32, #tpu.memory_space<vmem>>
      %dma_wait3A_181 = arith.constant 0 : i32
      %dma_wait3A_182 = arith.constant 0 : i32
      %dma_wait3A_183 = tpu.memref_slice %arg3[%dma_wait3A_181, %dma_wait3A_182] : memref<100000x128xf32, #tpu.memory_space<hbm>> -> memref<100000x128xf32, #tpu.memory_space<hbm>>
      tpu.wait_indirect_dma semaphore(%arg16 : memref<!tpu.dma_semaphore, #tpu.memory_space<semaphore_mem>>) src(%dma_wait3A_183 : memref<100000x128xf32, #tpu.memory_space<hbm>>) dst(%arg9 : memref<128x128xf32, #tpu.memory_space<vmem>>)
      %mul3A_184 = arith.constant 128 : i32
      %mul3A_185 = arith.muli %add3A_163, %mul3A_184 : i32
      %add3A_186 = arith.addi %multiple_of3A, %mul3A_185 : i32
      %multiple_of3A_187 = tpu.assume_multiple %add3A_186, 128 : i32
      %dma_start3A_188 = arith.constant 0 : i32
      %dma_start3A_189 = tpu.memref_slice %arg4[%multiple_of3A_187, %dma_start3A_188] : memref<204800x128xf32, #tpu.memory_space<hbm>> -> memref<128x128xf32, #tpu.memory_space<hbm>>
      %dma_start3A_190 = arith.constant 0 : i32
      %dma_start3A_191 = tpu.memref_slice %arg4[%multiple_of3A_187, %dma_start3A_190] : memref<204800x128xf32, #tpu.memory_space<hbm>> -> memref<128x128xf32, #tpu.memory_space<hbm>>
      tpu.enqueue_dma source(%arg9 : memref<128x128xf32, #tpu.memory_space<vmem>>) target(%dma_start3A_191 : memref<128x128xf32, #tpu.memory_space<hbm>>) target_semaphore(%arg23 : memref<!tpu.dma_semaphore, #tpu.memory_space<semaphore_mem>>)
      %add3A_192 = arith.constant 4 : i32
      %add3A_193 = arith.addi %mul3A_76, %add3A_192 : i32
      %ge3A_194 = arith.constant 1 : i32
      %ge3A_195 = arith.cmpi sge, %add3A_193, %ge3A_194 : i32
      %convert_element_type3A_196 = arith.extui %ge3A_195 : i1 to i32
      %cond3A_197 = arith.constant 0 : i32
      %cond3A_198 = arith.cmpi ne, %convert_element_type3A_196, %cond3A_197 : i32
      scf.if %cond3A_198 {
        %dma_wait3A_282 = arith.constant 0 : i32
        %dma_wait3A_283 = arith.constant 0 : i32
        %dma_wait3A_284 = tpu.memref_slice %arg4[%dma_wait3A_282, %dma_wait3A_283] : memref<204800x128xf32, #tpu.memory_space<hbm>> -> memref<128x128xf32, #tpu.memory_space<hbm>>
        %dma_wait3A_285 = arith.constant 0 : i32
        %dma_wait3A_286 = arith.constant 0 : i32
        %dma_wait3A_287 = tpu.memref_slice %arg4[%dma_wait3A_285, %dma_wait3A_286] : memref<204800x128xf32, #tpu.memory_space<hbm>> -> memref<128x128xf32, #tpu.memory_space<hbm>>
        tpu.wait_dma2 semaphore(%arg23 : memref<!tpu.dma_semaphore, #tpu.memory_space<semaphore_mem>>) src(%arg9 : memref<128x128xf32, #tpu.memory_space<vmem>>) dst(%dma_wait3A_287 : memref<128x128xf32, #tpu.memory_space<hbm>>)
      } else {
      }
      %add3A_199 = arith.constant 7 : i32
      %add3A_200 = arith.addi %add3A_193, %add3A_199 : i32
      %sub3A_201 = arith.constant 1 : i32
      %sub3A_202 = arith.subi %add3A_200, %sub3A_201 : i32
      %lt3A_203 = arith.constant 50 : i32
      %lt3A_204 = arith.cmpi slt, %sub3A_202, %lt3A_203 : i32
      %convert_element_type3A_205 = arith.extui %lt3A_204 : i1 to i32
      %cond3A_206 = arith.constant 0 : i32
      %cond3A_207 = arith.cmpi ne, %convert_element_type3A_205, %cond3A_206 : i32
      scf.if %cond3A_207 {
        %add3A_282 = arith.constant 7 : i32
        %add3A_283 = arith.addi %add3A_193, %add3A_282 : i32
        %sub3A_284 = arith.constant 1 : i32
        %sub3A_285 = arith.subi %add3A_283, %sub3A_284 : i32
        %dma_start3A_286 = arith.constant 0 : i32
        %dma_start3A_287 = tpu.memref_slice %arg5[%sub3A_285, %dma_start3A_286] : memref<50x128xi32, #tpu.memory_space<vmem>> -> memref<1x128xi32, #tpu.memory_space<vmem>>
        %dma_start3A_288 = tpu.memref_squeeze %dma_start3A_287 : memref<1x128xi32, #tpu.memory_space<vmem>> -> memref<128xi32, #tpu.memory_space<vmem>>
        %dma_start3A_289 = arith.constant 0 : i32
        %dma_start3A_290 = arith.constant 0 : i32
        %dma_start3A_291 = tpu.memref_slice %arg3[%dma_start3A_289, %dma_start3A_290] : memref<100000x128xf32, #tpu.memory_space<hbm>> -> memref<100000x128xf32, #tpu.memory_space<hbm>>
        tpu.enqueue_indirect_dma source(%dma_start3A_291 : memref<100000x128xf32, #tpu.memory_space<hbm>>) target(%arg9 : memref<128x128xf32, #tpu.memory_space<vmem>>) offsets(%dma_start3A_288 : memref<128xi32, #tpu.memory_space<vmem>>) semaphore(%arg16 : memref<!tpu.dma_semaphore, #tpu.memory_space<semaphore_mem>>)
      } else {
      }
      %dma_wait3A_208 = arith.constant 0 : i32
      %dma_wait3A_209 = tpu.memref_slice %arg5[%add3A_193, %dma_wait3A_208] : memref<50x128xi32, #tpu.memory_space<vmem>> -> memref<1x128xi32, #tpu.memory_space<vmem>>
      %dma_wait3A_210 = tpu.memref_squeeze %dma_wait3A_209 : memref<1x128xi32, #tpu.memory_space<vmem>> -> memref<128xi32, #tpu.memory_space<vmem>>
      %dma_wait3A_211 = arith.constant 0 : i32
      %dma_wait3A_212 = arith.constant 0 : i32
      %dma_wait3A_213 = tpu.memref_slice %arg3[%dma_wait3A_211, %dma_wait3A_212] : memref<100000x128xf32, #tpu.memory_space<hbm>> -> memref<100000x128xf32, #tpu.memory_space<hbm>>
      tpu.wait_indirect_dma semaphore(%arg17 : memref<!tpu.dma_semaphore, #tpu.memory_space<semaphore_mem>>) src(%dma_wait3A_213 : memref<100000x128xf32, #tpu.memory_space<hbm>>) dst(%arg10 : memref<128x128xf32, #tpu.memory_space<vmem>>)
      %mul3A_214 = arith.constant 128 : i32
      %mul3A_215 = arith.muli %add3A_193, %mul3A_214 : i32
      %add3A_216 = arith.addi %multiple_of3A, %mul3A_215 : i32
      %multiple_of3A_217 = tpu.assume_multiple %add3A_216, 128 : i32
      %dma_start3A_218 = arith.constant 0 : i32
      %dma_start3A_219 = tpu.memref_slice %arg4[%multiple_of3A_217, %dma_start3A_218] : memref<204800x128xf32, #tpu.memory_space<hbm>> -> memref<128x128xf32, #tpu.memory_space<hbm>>
      %dma_start3A_220 = arith.constant 0 : i32
      %dma_start3A_221 = tpu.memref_slice %arg4[%multiple_of3A_217, %dma_start3A_220] : memref<204800x128xf32, #tpu.memory_space<hbm>> -> memref<128x128xf32, #tpu.memory_space<hbm>>
      tpu.enqueue_dma source(%arg10 : memref<128x128xf32, #tpu.memory_space<vmem>>) target(%dma_start3A_221 : memref<128x128xf32, #tpu.memory_space<hbm>>) target_semaphore(%arg24 : memref<!tpu.dma_semaphore, #tpu.memory_space<semaphore_mem>>)
      %add3A_222 = arith.constant 5 : i32
      %add3A_223 = arith.addi %mul3A_76, %add3A_222 : i32
      %ge3A_224 = arith.constant 1 : i32
      %ge3A_225 = arith.cmpi sge, %add3A_223, %ge3A_224 : i32
      %convert_element_type3A_226 = arith.extui %ge3A_225 : i1 to i32
      %cond3A_227 = arith.constant 0 : i32
      %cond3A_228 = arith.cmpi ne, %convert_element_type3A_226, %cond3A_227 : i32
      scf.if %cond3A_228 {
        %dma_wait3A_282 = arith.constant 0 : i32
        %dma_wait3A_283 = arith.constant 0 : i32
        %dma_wait3A_284 = tpu.memref_slice %arg4[%dma_wait3A_282, %dma_wait3A_283] : memref<204800x128xf32, #tpu.memory_space<hbm>> -> memref<128x128xf32, #tpu.memory_space<hbm>>
        %dma_wait3A_285 = arith.constant 0 : i32
        %dma_wait3A_286 = arith.constant 0 : i32
        %dma_wait3A_287 = tpu.memref_slice %arg4[%dma_wait3A_285, %dma_wait3A_286] : memref<204800x128xf32, #tpu.memory_space<hbm>> -> memref<128x128xf32, #tpu.memory_space<hbm>>
        tpu.wait_dma2 semaphore(%arg24 : memref<!tpu.dma_semaphore, #tpu.memory_space<semaphore_mem>>) src(%arg10 : memref<128x128xf32, #tpu.memory_space<vmem>>) dst(%dma_wait3A_287 : memref<128x128xf32, #tpu.memory_space<hbm>>)
      } else {
      }
      %add3A_229 = arith.constant 7 : i32
      %add3A_230 = arith.addi %add3A_223, %add3A_229 : i32
      %sub3A_231 = arith.constant 1 : i32
      %sub3A_232 = arith.subi %add3A_230, %sub3A_231 : i32
      %lt3A_233 = arith.constant 50 : i32
      %lt3A_234 = arith.cmpi slt, %sub3A_232, %lt3A_233 : i32
      %convert_element_type3A_235 = arith.extui %lt3A_234 : i1 to i32
      %cond3A_236 = arith.constant 0 : i32
      %cond3A_237 = arith.cmpi ne, %convert_element_type3A_235, %cond3A_236 : i32
      scf.if %cond3A_237 {
        %add3A_282 = arith.constant 7 : i32
        %add3A_283 = arith.addi %add3A_223, %add3A_282 : i32
        %sub3A_284 = arith.constant 1 : i32
        %sub3A_285 = arith.subi %add3A_283, %sub3A_284 : i32
        %dma_start3A_286 = arith.constant 0 : i32
        %dma_start3A_287 = tpu.memref_slice %arg5[%sub3A_285, %dma_start3A_286] : memref<50x128xi32, #tpu.memory_space<vmem>> -> memref<1x128xi32, #tpu.memory_space<vmem>>
        %dma_start3A_288 = tpu.memref_squeeze %dma_start3A_287 : memref<1x128xi32, #tpu.memory_space<vmem>> -> memref<128xi32, #tpu.memory_space<vmem>>
        %dma_start3A_289 = arith.constant 0 : i32
        %dma_start3A_290 = arith.constant 0 : i32
        %dma_start3A_291 = tpu.memref_slice %arg3[%dma_start3A_289, %dma_start3A_290] : memref<100000x128xf32, #tpu.memory_space<hbm>> -> memref<100000x128xf32, #tpu.memory_space<hbm>>
        tpu.enqueue_indirect_dma source(%dma_start3A_291 : memref<100000x128xf32, #tpu.memory_space<hbm>>) target(%arg10 : memref<128x128xf32, #tpu.memory_space<vmem>>) offsets(%dma_start3A_288 : memref<128xi32, #tpu.memory_space<vmem>>) semaphore(%arg17 : memref<!tpu.dma_semaphore, #tpu.memory_space<semaphore_mem>>)
      } else {
      }
      %dma_wait3A_238 = arith.constant 0 : i32
      %dma_wait3A_239 = tpu.memref_slice %arg5[%add3A_223, %dma_wait3A_238] : memref<50x128xi32, #tpu.memory_space<vmem>> -> memref<1x128xi32, #tpu.memory_space<vmem>>
      %dma_wait3A_240 = tpu.memref_squeeze %dma_wait3A_239 : memref<1x128xi32, #tpu.memory_space<vmem>> -> memref<128xi32, #tpu.memory_space<vmem>>
      %dma_wait3A_241 = arith.constant 0 : i32
      %dma_wait3A_242 = arith.constant 0 : i32
      %dma_wait3A_243 = tpu.memref_slice %arg3[%dma_wait3A_241, %dma_wait3A_242] : memref<100000x128xf32, #tpu.memory_space<hbm>> -> memref<100000x128xf32, #tpu.memory_space<hbm>>
      tpu.wait_indirect_dma semaphore(%arg18 : memref<!tpu.dma_semaphore, #tpu.memory_space<semaphore_mem>>) src(%dma_wait3A_243 : memref<100000x128xf32, #tpu.memory_space<hbm>>) dst(%arg11 : memref<128x128xf32, #tpu.memory_space<vmem>>)
      %mul3A_244 = arith.constant 128 : i32
      %mul3A_245 = arith.muli %add3A_223, %mul3A_244 : i32
      %add3A_246 = arith.addi %multiple_of3A, %mul3A_245 : i32
      %multiple_of3A_247 = tpu.assume_multiple %add3A_246, 128 : i32
      %dma_start3A_248 = arith.constant 0 : i32
      %dma_start3A_249 = tpu.memref_slice %arg4[%multiple_of3A_247, %dma_start3A_248] : memref<204800x128xf32, #tpu.memory_space<hbm>> -> memref<128x128xf32, #tpu.memory_space<hbm>>
      %dma_start3A_250 = arith.constant 0 : i32
      %dma_start3A_251 = tpu.memref_slice %arg4[%multiple_of3A_247, %dma_start3A_250] : memref<204800x128xf32, #tpu.memory_space<hbm>> -> memref<128x128xf32, #tpu.memory_space<hbm>>
      tpu.enqueue_dma source(%arg11 : memref<128x128xf32, #tpu.memory_space<vmem>>) target(%dma_start3A_251 : memref<128x128xf32, #tpu.memory_space<hbm>>) target_semaphore(%arg25 : memref<!tpu.dma_semaphore, #tpu.memory_space<semaphore_mem>>)
      %add3A_252 = arith.constant 6 : i32
      %add3A_253 = arith.addi %mul3A_76, %add3A_252 : i32
      %ge3A_254 = arith.constant 1 : i32
      %ge3A_255 = arith.cmpi sge, %add3A_253, %ge3A_254 : i32
      %convert_element_type3A_256 = arith.extui %ge3A_255 : i1 to i32
      %cond3A_257 = arith.constant 0 : i32
      %cond3A_258 = arith.cmpi ne, %convert_element_type3A_256, %cond3A_257 : i32
      scf.if %cond3A_258 {
        %dma_wait3A_282 = arith.constant 0 : i32
        %dma_wait3A_283 = arith.constant 0 : i32
        %dma_wait3A_284 = tpu.memref_slice %arg4[%dma_wait3A_282, %dma_wait3A_283] : memref<204800x128xf32, #tpu.memory_space<hbm>> -> memref<128x128xf32, #tpu.memory_space<hbm>>
        %dma_wait3A_285 = arith.constant 0 : i32
        %dma_wait3A_286 = arith.constant 0 : i32
        %dma_wait3A_287 = tpu.memref_slice %arg4[%dma_wait3A_285, %dma_wait3A_286] : memref<204800x128xf32, #tpu.memory_space<hbm>> -> memref<128x128xf32, #tpu.memory_space<hbm>>
        tpu.wait_dma2 semaphore(%arg25 : memref<!tpu.dma_semaphore, #tpu.memory_space<semaphore_mem>>) src(%arg11 : memref<128x128xf32, #tpu.memory_space<vmem>>) dst(%dma_wait3A_287 : memref<128x128xf32, #tpu.memory_space<hbm>>)
      } else {
      }
      %add3A_259 = arith.constant 7 : i32
      %add3A_260 = arith.addi %add3A_253, %add3A_259 : i32
      %sub3A_261 = arith.constant 1 : i32
      %sub3A_262 = arith.subi %add3A_260, %sub3A_261 : i32
      %lt3A_263 = arith.constant 50 : i32
      %lt3A_264 = arith.cmpi slt, %sub3A_262, %lt3A_263 : i32
      %convert_element_type3A_265 = arith.extui %lt3A_264 : i1 to i32
      %cond3A_266 = arith.constant 0 : i32
      %cond3A_267 = arith.cmpi ne, %convert_element_type3A_265, %cond3A_266 : i32
      scf.if %cond3A_267 {
        %add3A_282 = arith.constant 7 : i32
        %add3A_283 = arith.addi %add3A_253, %add3A_282 : i32
        %sub3A_284 = arith.constant 1 : i32
        %sub3A_285 = arith.subi %add3A_283, %sub3A_284 : i32
        %dma_start3A_286 = arith.constant 0 : i32
        %dma_start3A_287 = tpu.memref_slice %arg5[%sub3A_285, %dma_start3A_286] : memref<50x128xi32, #tpu.memory_space<vmem>> -> memref<1x128xi32, #tpu.memory_space<vmem>>
        %dma_start3A_288 = tpu.memref_squeeze %dma_start3A_287 : memref<1x128xi32, #tpu.memory_space<vmem>> -> memref<128xi32, #tpu.memory_space<vmem>>
        %dma_start3A_289 = arith.constant 0 : i32
        %dma_start3A_290 = arith.constant 0 : i32
        %dma_start3A_291 = tpu.memref_slice %arg3[%dma_start3A_289, %dma_start3A_290] : memref<100000x128xf32, #tpu.memory_space<hbm>> -> memref<100000x128xf32, #tpu.memory_space<hbm>>
        tpu.enqueue_indirect_dma source(%dma_start3A_291 : memref<100000x128xf32, #tpu.memory_space<hbm>>) target(%arg11 : memref<128x128xf32, #tpu.memory_space<vmem>>) offsets(%dma_start3A_288 : memref<128xi32, #tpu.memory_space<vmem>>) semaphore(%arg18 : memref<!tpu.dma_semaphore, #tpu.memory_space<semaphore_mem>>)
      } else {
      }
      %dma_wait3A_268 = arith.constant 0 : i32
      %dma_wait3A_269 = tpu.memref_slice %arg5[%add3A_253, %dma_wait3A_268] : memref<50x128xi32, #tpu.memory_space<vmem>> -> memref<1x128xi32, #tpu.memory_space<vmem>>
      %dma_wait3A_270 = tpu.memref_squeeze %dma_wait3A_269 : memref<1x128xi32, #tpu.memory_space<vmem>> -> memref<128xi32, #tpu.memory_space<vmem>>
      %dma_wait3A_271 = arith.constant 0 : i32
      %dma_wait3A_272 = arith.constant 0 : i32
      %dma_wait3A_273 = tpu.memref_slice %arg3[%dma_wait3A_271, %dma_wait3A_272] : memref<100000x128xf32, #tpu.memory_space<hbm>> -> memref<100000x128xf32, #tpu.memory_space<hbm>>
      tpu.wait_indirect_dma semaphore(%arg19 : memref<!tpu.dma_semaphore, #tpu.memory_space<semaphore_mem>>) src(%dma_wait3A_273 : memref<100000x128xf32, #tpu.memory_space<hbm>>) dst(%arg12 : memref<128x128xf32, #tpu.memory_space<vmem>>)
      %mul3A_274 = arith.constant 128 : i32
      %mul3A_275 = arith.muli %add3A_253, %mul3A_274 : i32
      %add3A_276 = arith.addi %multiple_of3A, %mul3A_275 : i32
      %multiple_of3A_277 = tpu.assume_multiple %add3A_276, 128 : i32
      %dma_start3A_278 = arith.constant 0 : i32
      %dma_start3A_279 = tpu.memref_slice %arg4[%multiple_of3A_277, %dma_start3A_278] : memref<204800x128xf32, #tpu.memory_space<hbm>> -> memref<128x128xf32, #tpu.memory_space<hbm>>
      %dma_start3A_280 = arith.constant 0 : i32
      %dma_start3A_281 = tpu.memref_slice %arg4[%multiple_of3A_277, %dma_start3A_280] : memref<204800x128xf32, #tpu.memory_space<hbm>> -> memref<128x128xf32, #tpu.memory_space<hbm>>
      tpu.enqueue_dma source(%arg12 : memref<128x128xf32, #tpu.memory_space<vmem>>) target(%dma_start3A_281 : memref<128x128xf32, #tpu.memory_space<hbm>>) target_semaphore(%arg26 : memref<!tpu.dma_semaphore, #tpu.memory_space<semaphore_mem>>)
    }
    %scan3A_48 = arith.constant 7 : i32
    %dma_wait3A = arith.constant 0 : i32
    %dma_wait3A_49 = arith.constant 0 : i32
    %dma_wait3A_50 = tpu.memref_slice %arg4[%dma_wait3A, %dma_wait3A_49] : memref<204800x128xf32, #tpu.memory_space<hbm>> -> memref<128x128xf32, #tpu.memory_space<hbm>>
    %dma_wait3A_51 = arith.constant 0 : i32
    %dma_wait3A_52 = arith.constant 0 : i32
    %dma_wait3A_53 = tpu.memref_slice %arg4[%dma_wait3A_51, %dma_wait3A_52] : memref<204800x128xf32, #tpu.memory_space<hbm>> -> memref<128x128xf32, #tpu.memory_space<hbm>>
    tpu.wait_dma2 semaphore(%arg26 : memref<!tpu.dma_semaphore, #tpu.memory_space<semaphore_mem>>) src(%arg12 : memref<128x128xf32, #tpu.memory_space<vmem>>) dst(%dma_wait3A_53 : memref<128x128xf32, #tpu.memory_space<hbm>>)
    %dma_wait3A_54 = arith.constant 49 : i32
    %dma_wait3A_55 = arith.constant 0 : i32
    %dma_wait3A_56 = tpu.memref_slice %arg5[%dma_wait3A_54, %dma_wait3A_55] : memref<50x128xi32, #tpu.memory_space<vmem>> -> memref<1x128xi32, #tpu.memory_space<vmem>>
    %dma_wait3A_57 = tpu.memref_squeeze %dma_wait3A_56 : memref<1x128xi32, #tpu.memory_space<vmem>> -> memref<128xi32, #tpu.memory_space<vmem>>
    %dma_wait3A_58 = arith.constant 0 : i32
    %dma_wait3A_59 = arith.constant 0 : i32
    %dma_wait3A_60 = tpu.memref_slice %arg3[%dma_wait3A_58, %dma_wait3A_59] : memref<100000x128xf32, #tpu.memory_space<hbm>> -> memref<100000x128xf32, #tpu.memory_space<hbm>>
    tpu.wait_indirect_dma semaphore(%arg13 : memref<!tpu.dma_semaphore, #tpu.memory_space<semaphore_mem>>) src(%dma_wait3A_60 : memref<100000x128xf32, #tpu.memory_space<hbm>>) dst(%arg6 : memref<128x128xf32, #tpu.memory_space<vmem>>)
    %add3A_61 = arith.constant 6272 : i32
    %add3A_62 = arith.addi %multiple_of3A, %add3A_61 : i32
    %multiple_of3A_63 = tpu.assume_multiple %add3A_62, 128 : i32
    %dma_start3A_64 = arith.constant 0 : i32
    %dma_start3A_65 = tpu.memref_slice %arg4[%multiple_of3A_63, %dma_start3A_64] : memref<204800x128xf32, #tpu.memory_space<hbm>> -> memref<128x128xf32, #tpu.memory_space<hbm>>
    %dma_start3A_66 = arith.constant 0 : i32
    %dma_start3A_67 = tpu.memref_slice %arg4[%multiple_of3A_63, %dma_start3A_66] : memref<204800x128xf32, #tpu.memory_space<hbm>> -> memref<128x128xf32, #tpu.memory_space<hbm>>
    tpu.enqueue_dma source(%arg6 : memref<128x128xf32, #tpu.memory_space<vmem>>) target(%dma_start3A_67 : memref<128x128xf32, #tpu.memory_space<hbm>>) target_semaphore(%arg20 : memref<!tpu.dma_semaphore, #tpu.memory_space<semaphore_mem>>)
    %dma_wait3A_68 = arith.constant 0 : i32
    %dma_wait3A_69 = arith.constant 0 : i32
    %dma_wait3A_70 = tpu.memref_slice %arg4[%dma_wait3A_68, %dma_wait3A_69] : memref<204800x128xf32, #tpu.memory_space<hbm>> -> memref<128x128xf32, #tpu.memory_space<hbm>>
    %dma_wait3A_71 = arith.constant 0 : i32
    %dma_wait3A_72 = arith.constant 0 : i32
    %dma_wait3A_73 = tpu.memref_slice %arg4[%dma_wait3A_71, %dma_wait3A_72] : memref<204800x128xf32, #tpu.memory_space<hbm>> -> memref<128x128xf32, #tpu.memory_space<hbm>>
    tpu.wait_dma2 semaphore(%arg20 : memref<!tpu.dma_semaphore, #tpu.memory_space<semaphore_mem>>) src(%arg6 : memref<128x128xf32, #tpu.memory_space<vmem>>) dst(%dma_wait3A_73 : memref<128x128xf32, #tpu.memory_space<hbm>>)
    return
  }
}

</mosaic_0001>

<sc_bundles>
// kernel: kernel.3.cloned.1.call-start
scs
__scs_entry_jumppad:
0x0: {  	(pc) =	sbr.rel $0x88, $3  }
0x1: {  	(tag) =	ssettag $0x0;
	lr =	simm.s32 $0x1  }
0x2: {  	[smem:$0x3F9F] =	sst lr;
	_ =	strace $0xD0000000  }
0x3: {  	_ = 	snop  }
0x4: {  	_ = 	snop  }
0x5: {  	_ = 	snop  }
0x6: {  	_ = 	snop  }
0x7: {  	_ = 	snop  }
__scs_overlays_trampoline_lowered:
0x8: {  	[smem:$0x3FAE] =	sst s0  }
0x9: {  	[smem:$0x3FAF] =	sst s1  }
0xa: {  	[smem:$0x3FB0] =	sst s2  }
0xb: {  	[smem:$0x3FB1] =	sst s3  }
0xc: {  	[smem:$0x3FB2] =	sst s4  }
0xd: {  	[smem:$0x3FB3] =	sst s5  }
0xe: {  	[smem:$0x3FB4] =	sst s6  }
0xf: {  	[smem:$0x3FB5] =	sst s7  }
0x10: {  	[smem:$0x3FB6] =	sst s8  }
0x11: {  	[smem:$0x3FB7] =	sst s9;
	s0 =	simm.s32 @!p0 $0x0  }
0x12: {  	s1 =	sld [smem:$0x3F9D];
	s0 =	simm.s32 @p0 $0x1  }
0x13: {  	[smem:$0x3FB8] =	sst s0;
	s0 =	simm.s32 @!p1 $0x0  }
0x14: {  	s2 =	sld [smem:$0x3F9C];
	s0 =	simm.s32 @p1 $0x1  }
0x15: {  	[smem:$0x3FB9] =	sst s0;
	s0 =	simm.s32 @!p2 $0x0  }
0x16: {  	s3 =	sld [smem:$0x3FDB];
	s0 =	simm.s32 @p2 $0x1  }
0x17: {  	s4 =	simm.s32 $0x1BF5;
	[smem:$0x3FBB] =	sst s0  }
0x18: {  	s0 =	sld [smem:$0x3F9E];
	_ =	swait.ge [sflag:s4], $0x0  }
0x19: {  	s7 =	sld [smem:$0x3F9F]  }
0x1a: {  	s8 =	sadd.s32 $0xFFFFE003, lr  }
0x1b: {  	s9 =	sadd.s32 $0xFFFFFEF7, lr;
	s5 =	simm.s32 $0xFFFFFFFF;
	p2 =	slt.u32 s8, $0xFFFFF086  }
0x1c: {  	p1 =	slt.u32 s9, $0xF7A;
	s5 =	simm.s32 @!p2 $0x0  }
0x1d: {  	s5 =	simm.s32 @p1 $0x1;
	p0 =	seq.s32 s7, s2  }
0x1e: {  	s7 =	smul.u32 @!p0 $0xF7A, s2;
	p2 =	seq.s32 @!p0 s5, $0x0  }
0x1f: {  	s9 =	smul.u32 $0xF7A, s1;
	s8 =	simm.s32 @!p0 $0x1BF5;
	p2 =	por !p2, p0  }
0x20: {  	[sflag:s8] =	ssyncset.s32 @!p0 $0xFFFFF086;
	s6 =	sadd.s32 @!p0 s3, s7;
	s7 =	simm.s32 @!p0 $0x108  }
0x21: {  	s3 =	sadd.s32 s3, s9;
	s6 =	sadd.s32 @!p0 $0x88, s6;
	s7 =	simm.s32 @p2 $0x1082  }
0x22: {  	[simem:s7], [sflag:s8] =	dma.local @!p0 [hbm:s6], $0xF7A  }
0x23: {  	s9 =	sor.u32 $0xD0000000, s2;
	s6 =	simm.s32 $0x108;
	_ =	swait.ge @!p0 [sflag:s8], $0x0  }
0x24: {  	s3 =	sadd.s32 $0x88, s3;
	s6 =	simm.s32 @!p1 $0x1082;
	[sflag:s4] =	ssyncset.s32 $0xFFFFF086  }
0x25: {  	[simem:s6], [sflag:s4] =	dma.local [hbm:s3], $0xF7A  }
0x26: {  	[smem:$0x3F9F] =	sst s1;
	(tag) =	ssettag s2;
	_ =	strace s9  }
0x27: {  	s1 =	sld [smem:$0x3FAF]  }
0x28: {  	s2 =	sld [smem:$0x3FB0]  }
0x29: {  	s4 =	sld [smem:$0x3FB2]  }
0x2a: {  	p0 =	seq.s32 s5, $0x0;
	s5 =	sld [smem:$0x3FB3]  }
0x2b: {  	s6 =	sld [smem:$0x3FB4]  }
0x2c: {  	s7 =	sld [smem:$0x3FB5]  }
0x2d: {  	s3 =	simm.s32 $0x108;
	s8 =	sld [smem:$0x3FB6]  }
0x2e: {  	s3 =	simm.s32 @!p0 $0x1082;
	s9 =	sld [smem:$0x3FB7]  }
0x2f: {  	lr =	sadd.s32 s0, s3;
	s0 =	sld [smem:$0x3FAE]  }
0x30: {  	s3 =	sld [smem:$0x3FB1]  }
0x31: {  	[smem:$0x3FBA] =	sst s10  }
0x32: {  	s10 =	sld [smem:$0x3FB8];
	_ =	sdelay $0x3  }
0x33: {  	p0 =	seq.s32 s10, $0x1;
	s10 =	sld [smem:$0x3FBA];
	_ =	sdelay $0x3  }
0x34: {  	[smem:$0x3FBA] =	sst s10  }
0x35: {  	s10 =	sld [smem:$0x3FB9];
	_ =	sdelay $0x3  }
0x36: {  	p1 =	seq.s32 s10, $0x1;
	s10 =	sld [smem:$0x3FBA];
	_ =	sdelay $0x3  }
0x37: {  	[smem:$0x3FBA] =	sst s10  }
0x38: {  	s10 =	sld [smem:$0x3FBB]  }
0x39: {  	_ = 	snop;
	(pc) =	sbr.ind lr, $3  }
0x3a: {  	_ = 	snop  }
0x3b: {  	_ = 	snop  }
0x3c: {  	p2 =	seq.s32 s10, $0x1;
	s10 =	sld [smem:$0x3FBA]  }
0x3d: {  	_ =	shalt  }
0x3e: {  	_ =	shalt  }
0x3f: {  	_ =	shalt  }
0x40: {  	_ =	shalt  }
0x41: {  	_ =	shalt  }
0x42: {  	_ =	shalt  }
0x43: {  	_ =	shalt  }
0x44: {  	_ =	shalt  }
0x45: {  	_ =	shalt  }
0x46: {  	_ =	shalt  }
0x47: {  	_ =	shalt  }
0x48: {  	_ =	shalt  }
0x49: {  	_ =	shalt  }
0x4a: {  	_ =	shalt  }
0x4b: {  	_ =	shalt  }
0x4c: {  	_ =	shalt  }
0x4d: {  	_ =	shalt  }
0x4e: {  	_ =	shalt  }
0x4f: {  	_ =	shalt  }
0x50: {  	_ =	shalt  }
0x51: {  	_ =	shalt  }
0x52: {  	_ =	shalt  }
0x53: {  	_ =	shalt  }
0x54: {  	_ =	shalt  }
0x55: {  	_ =	shalt  }
0x56: {  	_ =	shalt  }
0x57: {  	_ =	shalt  }
0x58: {  	_ =	shalt  }
0x59: {  	_ =	shalt  }
0x5a: {  	_ =	shalt  }
0x5b: {  	_ =	shalt  }
0x5c: {  	_ =	shalt  }
0x5d: {  	_ =	shalt  }
0x5e: {  	_ =	shalt  }
0x5f: {  	_ =	shalt  }
0x60: {  	_ =	shalt  }
0x61: {  	_ =	shalt  }
0x62: {  	_ =	shalt  }
0x63: {  	_ =	shalt  }
0x64: {  	_ =	shalt  }
0x65: {  	_ =	shalt  }
0x66: {  	_ =	shalt  }
0x67: {  	_ =	shalt  }
0x68: {  	_ =	shalt  }
0x69: {  	_ =	shalt  }
0x6a: {  	_ =	shalt  }
0x6b: {  	_ =	shalt  }
0x6c: {  	_ =	shalt  }
0x6d: {  	_ =	shalt  }
0x6e: {  	_ =	shalt  }
0x6f: {  	_ =	shalt  }
0x70: {  	_ =	shalt  }
0x71: {  	_ =	shalt  }
0x72: {  	_ =	shalt  }
0x73: {  	_ =	shalt  }
0x74: {  	_ =	shalt  }
0x75: {  	_ =	shalt  }
0x76: {  	_ =	shalt  }
0x77: {  	_ =	shalt  }
0x78: {  	_ =	shalt  }
0x79: {  	_ =	shalt  }
0x7a: {  	_ =	shalt  }
0x7b: {  	_ =	shalt  }
0x7c: {  	_ =	shalt  }
0x7d: {  	_ =	shalt  }
0x7e: {  	_ =	shalt  }
0x7f: {  	_ =	shalt  }
0x80: {  	_ =	shalt  }
0x81: {  	_ =	shalt  }
0x82: {  	_ =	shalt  }
0x83: {  	_ =	shalt  }
0x84: {  	_ =	shalt  }
0x85: {  	_ =	shalt  }
0x86: {  	_ =	shalt  }
0x87: {  	_ =	shalt  }
.Lfunc_end0:
.L_simem_size_0:
called_computation_lowered:
.L_overlay_start_0:
0x88: {  	s2 =	sld [smem:$0x3FD9]  }
0x89: {  	s3 =	sld [smem:$0x3FFE];
	_ =	sdelay $0x1  }
0x8a: {  	s1 =	srdreg.scid  }
0x8b: {  	s0 =	sand.u32 $0x1, s1  }
0x8c: {  	s17 =	sshll.u32 s0, $0xA;
	s2 =	sadd.s32 s3, s2  }
0x8d: {  	s2 =	sadd.s32 s2, s17  }
0x8e: {  	[smem:$0x3FC6] =	sst s2  }
0x8f: {  	_ = 	snop  }
0x90: {  	s2 =	sld [smem:$0x3FC8]  }
0x91: {  	s18 =	sld [smem:$0x3FD0];
	(tm) =	ssettm $0x1  }
0x92: {  	s4 =	sld [smem:$0x3FFB];
	_ =	sdelay $0x3  }
0x93: {  	_ =	strace s4  }
0x94: {  	s4 =	sld [smem:$0x3FFC];
	_ =	sdelay $0x3  }
0x95: {  	_ =	strace s4  }
0x96: {  	s4 =	sld [smem:$0x3FFD];
	_ =	sdelay $0x3  }
0x97: {  	_ =	strace s4  }
0x98: {  	_ =	strace $0x8FFFFFFF  }
0x99: {  	s19 =	sld [smem:$0x3FDB];
	_ =	sdelay $0x1  }
0x9a: {  	s5 =	simm.s32 $_scs_section_size  }
0x9b: {  	s6 =	simm.s32 $_size__tile_overlayer_lowered;
	s7 =	simm.s32 $_tile_overlayer_lowered  }
0x9c: {  	s22 =	simm.s32 $0x1BFF;
	s21 =	sshll.u32 s7, $0x1;
	s4 =	sadd.s32 s5, s19  }
0x9d: {  	s8 =	simm.s32 $0x0;
	s20 =	sshll.u32 s6, $0x1;
	s6 =	sadd.s32 s21, s4  }
0x9e: {  	[timem:s8], [sflag:s22] =	dma.local [hbm:s6], s20  }
0x9f: {  	_ =	swait.ge [sflag:s22], s20  }
0xa0: {  	s5 =	ssub.s32 $0x0, s20;
	[sflag:s22] =	ssyncset.done $0x0  }
0xa1: {  	[sflag:s22] =	ssyncadd.s32 s5;
	_ =	sdelay $0x1  }
0xa2: {  	s23 =	simm.s32 $0x1B8B  }
0xa3: {  	_ =	swait.ge [sflag:s23], $0x1  }
0xa4: {  	[sflag:s23] =	ssyncset.done $0x0  }
0xa5: {  	s25 =	simm.s32 $0x1B8E;
	s24 =	sld [smem:$0x3FFE];
	[sflag:s23] =	ssyncadd.s32 $0xFFFFFFFF  }
0xa6: {  	s26 =	simm.s32 $execute0_lowered;
	[smem:$0x3FD2] =	sst s25  }
0xa7: {  	s6 =	sshll.u32 s26, $0x1;
	_ =	strace $0x80000046;
	[dreg:$0x1] =	wrdreg $0xFFFFFFFF  }
0xa8: {  	s28 =	simm.s32 $_size_execute0_lowered;
	s4 =	sadd.s32 s4, s6;
	[dreg:$0x0] =	wrdreg $0x0  }
0xa9: {  	s6 =	sshll.u32 s28, $0x1;
	[dreg:$0x2] =	wrdreg s4  }
0xaa: {  	[dreg:$0x3] =	wrdreg s6  }
0xab: {  	[dreg:$0x4] =	wrdreg $0xC0  }
0xac: {  	_ =	task [dreg:s8], $0x5FFFF  }
0xad: {  	[dreg:$0x1] =	wrdreg $0xFFFFFFFF  }
0xae: {  	[dreg:$0x0] =	wrdreg $0x60  }
0xaf: {  	[dreg:$0x2] =	wrdreg s24  }
0xb0: {  	[dreg:$0x3] =	wrdreg s2  }
0xb1: {  	[dreg:$0x4] =	wrdreg s18  }
0xb2: {  	[dreg:$0x5] =	wrdreg $0x9  }
0xb3: {  	_ =	task.clear_ibuf [dreg:s8], $0x6FFFF;
	_ =	strace $0x90000046  }
0xb4: {  	s29 =	simm.s32 $0x9;
	_ =	strace $0x80000048  }
0xb5: {  	_ =	swait.ge [sflag:s29], $0x1  }
0xb6: {  	[sflag:s29] =	ssyncadd.s32 $0xFFFFFFFF  }
0xb7: {  	_ =	strace $0x90000048  }
0xb8: {  	_ =	sfence  }
0xb9: {  	s30 =	sld [smem:$0x0];
	_ =	sdelay $0x2  }
0xba: {  	s31 =	sshll.u32 s1, $0xD;
	s1 =	sshrl.u32 s1, $0x2  }
0xbb: {  	s3 =	sand.u32 $0x4000, s31;
	s1 =	sadd.s32 s1, s30  }
0xbc: {  	s0 =	sor.u32 s3, s0;
	s1 =	sshll.u32 s1, $0x11  }
0xbd: {  	s0 =	sor.u32 s1, s0  }
0xbe: {  	s0 =	sadd.s32 $0x8F2B, s0  }
0xbf: {  	[sflag:s0] =	ssyncadd.remote.s32 $0x1  }
0xc0: {  	_ =	sfence.sel $0xFFFF  }
0xc1: {  	[dreg:$0x0] =	wrdreg $0xFFFFFFFF;
	(pc) =	sbr.abs _section_cstart, $3  }
0xc2: {  	[dreg:$0x1] =	wrdreg $0xFFFFFFFF  }
0xc3: {  	_ =	task.clear_ibuf [dreg:s8], $0x2FFFF;
	_ =	strace $0x9FFFFFFF  }
0xc4: {  	(tm) =	ssettm $0x7FFFFFFF  }
0xc5: {  	_ =	shalt  }
tec
execute0_lowered:
.L_overlay_start_1:
0x0: {  	(tag) =	ssettag $0x1  }
0x1: {  	s0 =	rddreg [dreg:$0x0]  }
0x2: {  	s1 =	srdreg.scid;
	s2 =	rddreg [dreg:$0x1]  }
0x3: {  	s10 =	stileid.u32;
	s4 =	rddreg [dreg:$0x2];
	s28 =	simm.s32 $0xB  }
0x4: {  	s29 =	simm.s32 $0x5;
	s30 =	simm.s32 $0xC;
	s8 =	smul.u32 $0x190000, s10  }
0x5: {  	s1 =	sand.u32 $0x1, s1;
	s3 =	sshll.u32 s10, $0x1;
	s13 =	smul.u32 $0x32000, s10  }
0x6: {  	s31 =	simm.s32 $0x6;
	s5 =	sor.u32 s1, s3;
	s9 =	smul.u32 $0xC8000, s1  }
0x7: {  	s3 =	simm.s32 $0x0;
	s7 =	ssub.s32 $0x2, s1;
	s1 =	smul.u32 $0x19000, s1  }
0x8: {  	s10 =	simm.s32 $0x5C00;
	s6 =	smul.u32 $0x380, s5;
	[smem:$0x7FF] =	sst s3  }
0x9: {  	s5 =	smul.u32 $0xC8000, s5;
	s12 =	sshrl.u32 s7, $0x1;
	_ =	strace $0x80000047  }
0xa: {  	s14 =	sadd.s32 s9, s8;
	s9 =	simm.s32 $0x1C00;
	s0 =	sadd.s32 s6, s0  }
0xb: {  	s6 =	ssub.s32 s7, s12;
	s5 =	sshrl.u32 s5, $0x3;
	s8 =	sadd.s32 $0x18000, s14  }
0xc: {  	s16 =	sadd.s32 $0x14000, s14;
	s20 =	sadd.s32 $0x10000, s14;
	s22 =	sadd.s32 $0xC000, s14  }
0xd: {  	s7 =	sadd.s32 $0x8000, s14;
	s12 =	simm.s32 $0x9C00;
	s14 =	simm.s32 $0xDC00  }
0xe: {  	s0 =	sadd.s32 $0x400, s0;
	s5 =	sadd.s32 s4, s5;
	s15 =	sshrl.u32 s8, $0x3  }
0xf: {  	s18 =	sshrl.u32 s16, $0x3;
	s21 =	sshrl.u32 s20, $0x3;
	s24 =	sshrl.u32 s7, $0x3  }
0x10: {  	s26 =	smax.u32 s6, $0x1;
	s8 =	simm.s32 $0x80;
	s16 =	simm.s32 $0x11C00  }
0x11: {  	s20 =	simm.s32 $0x1;
	[dreg:$0xa] =	wrdreg s0;
	s0 =	sadd.s32 s13, s4  }
0x12: {  	s17 =	sadd.s32 s15, s4;
	s19 =	sadd.s32 s18, s4;
	[dreg:$0xc] =	wrdreg s26  }
0x13: {  	s5 =	sadd.s32 $0x18800, s5;
	s25 =	sadd.s32 s24, s4;
	[dreg:$0x5] =	wrdreg s17  }
0x14: {  	s18 =	simm.s32 $0x15C00;
	s24 =	simm.s32 $0x3;
	[dreg:$0x6] =	wrdreg s19  }
0x15: {  	s26 =	simm.s32 $0x4;
	s13 =	simm.s32 $0x0;
	[dreg:$0xb] =	wrdreg s5  }
0x16: {  	s0 =	sadd.s32 s1, s0;
	s1 =	sshrl.u32 s22, $0x3;
	[dreg:$0x9] =	wrdreg s25  }
0x17: {  	s19 =	simm.s32 $0x19C00;
	s22 =	simm.s32 $0x2;
	s25 =	simm.s32 $0xA  }
0x18: {  	[dreg:$0x4] =	wrdreg s0;
	s0 =	sadd.s32 s21, s4;
	s23 =	sadd.s32 s1, s4  }
0x19: {  	s21 =	simm.s32 $0x8;
	s1 =	simm.s32 $0xD;
	[dreg:$0x7] =	wrdreg s0  }
0x1a: {  	[dreg:$0x8] =	wrdreg s23;
	s23 =	simm.s32 $0x9;
	s0 =	simm.s32 $0x7  }
.LBB2_1:
0x1b: {  	s4 =	rddreg [dreg:$0xa];
	s6 =	simm.s32 $0xF  }
0x1c: {  	[tilespmem:s3], [sflag:$0xF] =	stream.linear.gather [hbm4b:s4+s3], $0x1900, $0x38;
	[tilespmem:$0x1DC00] =	vst v63  }
0x1d: {  	_ =	swait.ge [sflag:s6], $0x1900  }
0x1e: {  	[sflag:s6] =	ssyncset.done $0x0  }
0x1f: {  	[sflag:s6] =	ssyncadd.s32 $0xFFFFE700  }
0x20: {  	[tilespmem:s9], [sflag:$0x1] =	stream.indirect.gather [hbm4b:s2+s8], $0x80, s3, s8, $0xb8;
	[tilespmem:$0x1DC00] =	vst v63  }
0x21: {  	_ = 	snop  }
0x22: {  	[tilespmem:s10], [sflag:$0x2] =	stream.indirect.gather [hbm4b:s2+s8], $0x80, s8, s8, $0xb8;
	[tilespmem:$0x1DC00] =	vst v63  }
0x23: {  	s7 =	simm.s32 $0x100  }
0x24: {  	[tilespmem:s12], [sflag:$0x3] =	stream.indirect.gather [hbm4b:s2+s8], $0x80, s7, s8, $0xb8;
	[tilespmem:$0x1DC00] =	vst v63  }
0x25: {  	s11 =	simm.s32 $0x180;
	p0 =	por $0x1, $0x1  }
0x26: {  	[tilespmem:s14], [sflag:$0x4] =	stream.indirect.gather [hbm4b:s2+s8], $0x80, s11, s8, $0xb8;
	[tilespmem:$0x1DC00] =	vst v63  }
0x27: {  	s15 =	simm.s32 $0x200;
	p0 =	por p0, p0  }
0x28: {  	[tilespmem:s16], [sflag:$0x5] =	stream.indirect.gather [hbm4b:s2+s8], $0x80, s15, s8, $0xb8;
	[tilespmem:$0x1DC00] =	vst v63  }
0x29: {  	s17 =	simm.s32 $0x280;
	s4 =	simm.s32 @!p0 $0xE  }
0x2a: {  	[tilespmem:s18], [sflag:$0x6] =	stream.indirect.gather [hbm4b:s2+s8], $0x80, s17, s8, $0xb8;
	[tilespmem:$0x1DC00] =	vst v63  }
0x2b: {  	_ =	swait.ge @!p0 [sflag:s4], $0x4000  }
0x2c: {  	[sflag:s4] =	ssyncset.done @!p0 $0x0  }
0x2d: {  	s5 =	simm.s32 $0x300;
	[sflag:s4] =	ssyncadd.s32 @!p0 $0xFFFFC000  }
0x2e: {  	[tilespmem:s19], [sflag:$0x7] =	stream.indirect.gather [hbm4b:s2+s8], $0x80, s5, s8, $0xb8;
	[tilespmem:$0x1DC00] =	vst v63  }
0x2f: {  	_ =	swait.ge [sflag:s20], $0x4000  }
0x30: {  	s5 =	rddreg [dreg:$0x4];
	[sflag:s20] =	ssyncset.done $0x0  }
0x31: {  	[sflag:s20] =	ssyncadd.s32 $0xFFFFC000;
	s4 =	sadd.s32 $0x0, s5  }
0x32: {  	[hbm4b:s4+s3] =	stream.linear.scatter [tilespmem:s9], [sflag:$0x8], $0x4000, $0x38;
	[tilespmem:$0x1DC00] =	vst v63  }
0x33: {  	_ =	swait.ge [sflag:s21], $0x4000  }
0x34: {  	[sflag:s21] =	ssyncset.done $0x0  }
0x35: {  	s6 =	simm.s32 $0x380;
	[sflag:s21] =	ssyncadd.s32 $0xFFFFC000  }
0x36: {  	[tilespmem:s9], [sflag:$0x1] =	stream.indirect.gather [hbm4b:s2+s8], $0x80, s6, s8, $0xb8;
	[tilespmem:$0x1DC00] =	vst v63  }
0x37: {  	_ =	swait.ge [sflag:s22], $0x4000  }
0x38: {  	[sflag:s22] =	ssyncset.done $0x0  }
0x39: {  	s4 =	sadd.s32 $0x800, s4;
	[sflag:s22] =	ssyncadd.s32 $0xFFFFC000  }
0x3a: {  	[hbm4b:s4+s3] =	stream.linear.scatter [tilespmem:s10], [sflag:$0x9], $0x4000, $0x38;
	[tilespmem:$0x1DC00] =	vst v63  }
0x3b: {  	p0 =	por $0x0, $0x0;
	_ =	swait.ge [sflag:s23], $0x4000  }
0x3c: {  	s5 =	simm.s32 @!p0 $0x80;
	[sflag:s23] =	ssyncset.done $0x0  }
0x3d: {  	s6 =	simm.s32 @!p0 $0x5C00;
	s4 =	simm.s32 @!p0 $0x400;
	[sflag:s23] =	ssyncadd.s32 $0xFFFFC000  }
0x3e: {  	[tilespmem:s6], [sflag:$0x2] =	stream.indirect.gather @!p0 [hbm4b:s2+s5], $0x80, s4, s5, $0xb8;
	[tilespmem:$0x1DC00] =	vst v63  }
0x3f: {  	_ =	swait.ge [sflag:s24], $0x4000  }
0x40: {  	s7 =	rddreg [dreg:$0x9];
	[sflag:s24] =	ssyncset.done $0x0  }
0x41: {  	[sflag:s24] =	ssyncadd.s32 $0xFFFFC000;
	s4 =	sadd.s32 $0x0, s7  }
0x42: {  	[hbm4b:s4+s3] =	stream.linear.scatter [tilespmem:s12], [sflag:$0xA], $0x4000, $0x38;
	[tilespmem:$0x1DC00] =	vst v63  }
0x43: {  	_ =	swait.ge [sflag:s25], $0x4000  }
0x44: {  	[sflag:s25] =	ssyncset.done $0x0  }
0x45: {  	s6 =	simm.s32 @!p0 $0x9C00;
	s4 =	simm.s32 @!p0 $0x480;
	[sflag:s25] =	ssyncadd.s32 $0xFFFFC000  }
0x46: {  	[tilespmem:s6], [sflag:$0x3] =	stream.indirect.gather @!p0 [hbm4b:s2+s5], $0x80, s4, s5, $0xb8;
	[tilespmem:$0x1DC00] =	vst v63  }
0x47: {  	_ =	swait.ge [sflag:s26], $0x4000  }
0x48: {  	s11 =	rddreg [dreg:$0x8];
	[sflag:s26] =	ssyncset.done $0x0  }
0x49: {  	[sflag:s26] =	ssyncadd.s32 $0xFFFFC000;
	s4 =	sadd.s32 $0x0, s11  }
0x4a: {  	[hbm4b:s4+s3] =	stream.linear.scatter [tilespmem:s14], [sflag:$0xB], $0x4000, $0x38;
	[tilespmem:$0x1DC00] =	vst v63  }
0x4b: {  	_ =	swait.ge [sflag:s28], $0x4000  }
0x4c: {  	[sflag:s28] =	ssyncset.done $0x0  }
0x4d: {  	s6 =	simm.s32 @!p0 $0xDC00;
	s4 =	simm.s32 @!p0 $0x500;
	[sflag:s28] =	ssyncadd.s32 $0xFFFFC000  }
0x4e: {  	[tilespmem:s6], [sflag:$0x4] =	stream.indirect.gather @!p0 [hbm4b:s2+s5], $0x80, s4, s5, $0xb8;
	[tilespmem:$0x1DC00] =	vst v63  }
0x4f: {  	_ =	swait.ge [sflag:s29], $0x4000  }
0x50: {  	s15 =	rddreg [dreg:$0x7];
	[sflag:s29] =	ssyncset.done $0x0  }
0x51: {  	[sflag:s29] =	ssyncadd.s32 $0xFFFFC000;
	s4 =	sadd.s32 $0x0, s15  }
0x52: {  	[hbm4b:s4+s3] =	stream.linear.scatter [tilespmem:s16], [sflag:$0xC], $0x4000, $0x38;
	[tilespmem:$0x1DC00] =	vst v63  }
0x53: {  	_ =	swait.ge [sflag:s30], $0x4000  }
0x54: {  	[sflag:s30] =	ssyncset.done $0x0  }
0x55: {  	s6 =	simm.s32 @!p0 $0x11C00;
	s4 =	simm.s32 @!p0 $0x580;
	[sflag:s30] =	ssyncadd.s32 $0xFFFFC000  }
0x56: {  	[tilespmem:s6], [sflag:$0x5] =	stream.indirect.gather @!p0 [hbm4b:s2+s5], $0x80, s4, s5, $0xb8;
	[tilespmem:$0x1DC00] =	vst v63  }
0x57: {  	_ =	swait.ge [sflag:s31], $0x4000  }
0x58: {  	s17 =	rddreg [dreg:$0x6];
	[sflag:s31] =	ssyncset.done $0x0  }
0x59: {  	[sflag:s31] =	ssyncadd.s32 $0xFFFFC000;
	s4 =	sadd.s32 $0x0, s17  }
0x5a: {  	[hbm4b:s4+s3] =	stream.linear.scatter [tilespmem:s18], [sflag:$0xD], $0x4000, $0x38;
	[tilespmem:$0x1DC00] =	vst v63  }
0x5b: {  	_ =	swait.ge [sflag:s1], $0x4000  }
0x5c: {  	p6 =	por $0x0, $0x0;
	s15 =	simm.s32 $0x3800;
	[sflag:s1] =	ssyncset.done $0x0  }
0x5d: {  	s6 =	simm.s32 @!p0 $0x15C00;
	s4 =	simm.s32 @!p0 $0x600;
	[sflag:s1] =	ssyncadd.s32 $0xFFFFC000  }
0x5e: {  	[tilespmem:s6], [sflag:$0x6] =	stream.indirect.gather @!p0 [hbm4b:s2+s5], $0x80, s4, s5, $0xb8;
	[tilespmem:$0x1DC00] =	vst v63  }
0x5f: {  	s17 =	simm.s32 $0x680;
	s4 =	simm.s32 $0x7000;
	_ =	swait.ge [sflag:s0], $0x4000  }
0x60: {  	p0 =	por p6, p6;
	s5 =	simm.s32 $0x0;
	[sflag:s0] =	ssyncset.done $0x0  }
0x61: {  	s6 =	simm.s32 @!p0 $0xE;
	s7 =	rddreg [dreg:$0x5];
	[sflag:s0] =	ssyncadd.s32 $0xFFFFC000  }
.LBB2_2:
0x62: {  	s7 =	sadd.s32 s5, s7  }
0x63: {  	[hbm4b:s7+s3] =	stream.linear.scatter [tilespmem:s19], [sflag:$0xE], $0x4000, $0x38;
	[tilespmem:$0x1DC00] =	vst v63  }
0x64: {  	_ =	swait.ge @!p0 [sflag:s6], $0x4000  }
0x65: {  	[sflag:s6] =	ssyncset.done @!p0 $0x0  }
0x66: {  	[sflag:s6] =	ssyncadd.s32 @!p0 $0xFFFFC000  }
0x67: {  	[tilespmem:s19], [sflag:$0x7] =	stream.indirect.gather [hbm4b:s2+s8], $0x80, s17, s8, $0xb8;
	[tilespmem:$0x1DC00] =	vst v63  }
0x68: {  	_ =	swait.ge [sflag:s20], $0x4000  }
0x69: {  	s5 =	smov.u32 s15;
	s7 =	rddreg [dreg:$0x4];
	[sflag:s20] =	ssyncset.done $0x0  }
0x6a: {  	[sflag:s20] =	ssyncadd.s32 $0xFFFFC000;
	s6 =	sadd.s32 s5, s7  }
0x6b: {  	[hbm4b:s6+s3] =	stream.linear.scatter [tilespmem:s9], [sflag:$0x8], $0x4000, $0x38;
	[tilespmem:$0x1DC00] =	vst v63  }
0x6c: {  	_ =	swait.ge [sflag:s21], $0x4000  }
0x6d: {  	[sflag:s21] =	ssyncset.done $0x0  }
0x6e: {  	s11 =	sadd.s32 $0x80, s17;
	[sflag:s21] =	ssyncadd.s32 $0xFFFFC000  }
0x6f: {  	[tilespmem:s9], [sflag:$0x1] =	stream.indirect.gather [hbm4b:s2+s8], $0x80, s11, s8, $0xb8;
	[tilespmem:$0x1DC00] =	vst v63  }
0x70: {  	_ =	swait.ge [sflag:s22], $0x4000  }
0x71: {  	[sflag:s22] =	ssyncset.done $0x0  }
0x72: {  	p2 =	seq.s32 s4, $0x0;
	s6 =	sadd.s32 $0x800, s6;
	[sflag:s22] =	ssyncadd.s32 $0xFFFFC000  }
0x73: {  	[hbm4b:s6+s3] =	stream.linear.scatter [tilespmem:s10], [sflag:$0x9], $0x4000, $0x38;
	[tilespmem:$0x1DC00] =	vst v63  }
0x74: {  	p0 =	por p2, p2;
	p2 =	seq.s32 s5, $0x15000;
	_ =	swait.ge [sflag:s23], $0x4000  }
0x75: {  	s7 =	sadd.s32 @!p2 $0x100, s17;
	[sflag:s23] =	ssyncset.done $0x0  }
0x76: {  	s11 =	simm.s32 @!p2 $0x5C00;
	s6 =	simm.s32 @!p2 $0x80;
	[sflag:s23] =	ssyncadd.s32 $0xFFFFC000  }
0x77: {  	[tilespmem:s11], [sflag:$0x2] =	stream.indirect.gather @!p2 [hbm4b:s2+s6], $0x80, s7, s6, $0xb8;
	[tilespmem:$0x1DC00] =	vst v63  }
0x78: {  	_ =	swait.ge [sflag:s24], $0x4000  }
0x79: {  	s11 =	rddreg [dreg:$0x9];
	[sflag:s24] =	ssyncset.done $0x0  }
0x7a: {  	[sflag:s24] =	ssyncadd.s32 $0xFFFFC000;
	s7 =	sadd.s32 s5, s11  }
0x7b: {  	[hbm4b:s7+s3] =	stream.linear.scatter [tilespmem:s12], [sflag:$0xA], $0x4000, $0x38;
	[tilespmem:$0x1DC00] =	vst v63  }
0x7c: {  	_ =	swait.ge [sflag:s25], $0x4000  }
0x7d: {  	[sflag:s25] =	ssyncset.done $0x0  }
0x7e: {  	s11 =	simm.s32 @!p2 $0x9C00;
	s7 =	sadd.s32 @!p2 $0x180, s17;
	[sflag:s25] =	ssyncadd.s32 $0xFFFFC000  }
0x7f: {  	[tilespmem:s11], [sflag:$0x3] =	stream.indirect.gather @!p2 [hbm4b:s2+s6], $0x80, s7, s6, $0xb8;
	[tilespmem:$0x1DC00] =	vst v63  }
0x80: {  	_ =	swait.ge [sflag:s26], $0x4000  }
0x81: {  	s11 =	rddreg [dreg:$0x8];
	[sflag:s26] =	ssyncset.done $0x0  }
0x82: {  	[sflag:s26] =	ssyncadd.s32 $0xFFFFC000;
	s7 =	sadd.s32 s5, s11  }
0x83: {  	[hbm4b:s7+s3] =	stream.linear.scatter [tilespmem:s14], [sflag:$0xB], $0x4000, $0x38;
	[tilespmem:$0x1DC00] =	vst v63  }
0x84: {  	_ =	swait.ge [sflag:s28], $0x4000  }
0x85: {  	[sflag:s28] =	ssyncset.done $0x0  }
0x86: {  	s11 =	simm.s32 @!p2 $0xDC00;
	s7 =	sadd.s32 @!p2 $0x200, s17;
	[sflag:s28] =	ssyncadd.s32 $0xFFFFC000  }
0x87: {  	[tilespmem:s11], [sflag:$0x4] =	stream.indirect.gather @!p2 [hbm4b:s2+s6], $0x80, s7, s6, $0xb8;
	[tilespmem:$0x1DC00] =	vst v63  }
0x88: {  	_ =	swait.ge [sflag:s29], $0x4000  }
0x89: {  	s11 =	rddreg [dreg:$0x7];
	[sflag:s29] =	ssyncset.done $0x0  }
0x8a: {  	[sflag:s29] =	ssyncadd.s32 $0xFFFFC000;
	s7 =	sadd.s32 s5, s11  }
0x8b: {  	[hbm4b:s7+s3] =	stream.linear.scatter [tilespmem:s16], [sflag:$0xC], $0x4000, $0x38;
	[tilespmem:$0x1DC00] =	vst v63  }
0x8c: {  	_ =	swait.ge [sflag:s30], $0x4000  }
0x8d: {  	[sflag:s30] =	ssyncset.done $0x0  }
0x8e: {  	s11 =	simm.s32 @!p2 $0x11C00;
	s7 =	sadd.s32 @!p2 $0x280, s17;
	[sflag:s30] =	ssyncadd.s32 $0xFFFFC000  }
0x8f: {  	[tilespmem:s11], [sflag:$0x5] =	stream.indirect.gather @!p2 [hbm4b:s2+s6], $0x80, s7, s6, $0xb8;
	[tilespmem:$0x1DC00] =	vst v63  }
0x90: {  	_ =	swait.ge [sflag:s31], $0x4000  }
0x91: {  	s11 =	rddreg [dreg:$0x6];
	[sflag:s31] =	ssyncset.done $0x0  }
0x92: {  	[sflag:s31] =	ssyncadd.s32 $0xFFFFC000;
	s7 =	sadd.s32 s5, s11  }
0x93: {  	[hbm4b:s7+s3] =	stream.linear.scatter [tilespmem:s18], [sflag:$0xD], $0x4000, $0x38;
	[tilespmem:$0x1DC00] =	vst v63  }
0x94: {  	s15 =	smov.u32 s4;
	s4 =	sadd.s32 $0x3800, s4;
	_ =	swait.ge [sflag:s1], $0x4000  }
0x95: {  	p1 =	sne.s32 s4, $0x18800;
	s11 =	simm.s32 @!p2 $0x15C00;
	[sflag:s1] =	ssyncset.done $0x0  }
.Ltmp0:
0x96: {  	s7 =	sadd.s32 @!p2 $0x300, s17;
	[sflag:s1] =	ssyncadd.s32 $0xFFFFC000;
	(pc) =	sbr.rel @p1 .LBB2_2-.Ltmp0, $4  }
0x97: {  	[tilespmem:s11], [sflag:$0x6] =	stream.indirect.gather @!p2 [hbm4b:s2+s6], $0x80, s7, s6, $0xb8;
	[tilespmem:$0x1DC00] =	vst v63  }
0x98: {  	_ =	swait.ge [sflag:s0], $0x4000  }
0x99: {  	s17 =	sadd.s32 $0x380, s17;
	[sflag:s0] =	ssyncset.done $0x0  }
0x9a: {  	s6 =	simm.s32 @!p0 $0xE;
	s7 =	rddreg [dreg:$0x5];
	[sflag:s0] =	ssyncadd.s32 $0xFFFFC000  }
0x9b: {  	s4 =	sadd.s32 s5, s7  }
0x9c: {  	[hbm4b:s4+s3] =	stream.linear.scatter [tilespmem:s19], [sflag:$0xE], $0x4000, $0x38;
	[tilespmem:$0x1DC00] =	vst v63  }
0x9d: {  	_ =	swait.ge @!p0 [sflag:s6], $0x4000  }
0x9e: {  	[sflag:s6] =	ssyncset.done @!p0 $0x0  }
0x9f: {  	[sflag:s6] =	ssyncadd.s32 @!p0 $0xFFFFC000  }
0xa0: {  	[tilespmem:s19], [sflag:$0x7] =	stream.indirect.gather [hbm4b:s2+s8], $0x80, s17, s8, $0xb8;
	[tilespmem:$0x1DC00] =	vst v63  }
0xa1: {  	_ =	swait.ge [sflag:s20], $0x4000  }
0xa2: {  	s7 =	rddreg [dreg:$0x4];
	[sflag:s20] =	ssyncset.done $0x0  }
0xa3: {  	[sflag:s20] =	ssyncadd.s32 $0xFFFFC000;
	s4 =	sadd.s32 s15, s7  }
0xa4: {  	[hbm4b:s4+s3] =	stream.linear.scatter [tilespmem:s9], [sflag:$0x8], $0x4000, $0x38;
	[tilespmem:$0x1DC00] =	vst v63  }
0xa5: {  	_ =	swait.ge [sflag:s21], $0x4000  }
0xa6: {  	[sflag:s21] =	ssyncset.done $0x0  }
0xa7: {  	s11 =	sadd.s32 $0x80, s17;
	[sflag:s21] =	ssyncadd.s32 $0xFFFFC000  }
0xa8: {  	[tilespmem:s9], [sflag:$0x1] =	stream.indirect.gather [hbm4b:s2+s8], $0x80, s11, s8, $0xb8;
	[tilespmem:$0x1DC00] =	vst v63  }
0xa9: {  	_ =	swait.ge [sflag:s22], $0x4000  }
0xaa: {  	[sflag:s22] =	ssyncset.done $0x0  }
0xab: {  	s4 =	sadd.s32 $0x800, s4;
	[sflag:s22] =	ssyncadd.s32 $0xFFFFC000  }
0xac: {  	[hbm4b:s4+s3] =	stream.linear.scatter [tilespmem:s10], [sflag:$0x9], $0x4000, $0x38;
	[tilespmem:$0x1DC00] =	vst v63  }
0xad: {  	p0 =	seq.s32 s15, $0x15000;
	_ =	swait.ge [sflag:s23], $0x4000  }
0xae: {  	s5 =	simm.s32 @!p0 $0x80;
	[sflag:s23] =	ssyncset.done $0x0  }
0xaf: {  	s6 =	simm.s32 @!p0 $0x5C00;
	s4 =	sadd.s32 @!p0 $0x100, s17;
	[sflag:s23] =	ssyncadd.s32 $0xFFFFC000  }
0xb0: {  	[tilespmem:s6], [sflag:$0x2] =	stream.indirect.gather @!p0 [hbm4b:s2+s5], $0x80, s4, s5, $0xb8;
	[tilespmem:$0x1DC00] =	vst v63  }
0xb1: {  	_ =	swait.ge [sflag:s24], $0x4000  }
0xb2: {  	s6 =	rddreg [dreg:$0x9];
	[sflag:s24] =	ssyncset.done $0x0  }
0xb3: {  	[sflag:s24] =	ssyncadd.s32 $0xFFFFC000;
	s4 =	sadd.s32 s15, s6  }
0xb4: {  	[hbm4b:s4+s3] =	stream.linear.scatter [tilespmem:s12], [sflag:$0xA], $0x4000, $0x38;
	[tilespmem:$0x1DC00] =	vst v63  }
0xb5: {  	_ =	swait.ge [sflag:s25], $0x4000  }
0xb6: {  	[sflag:s25] =	ssyncset.done $0x0  }
0xb7: {  	s6 =	simm.s32 @!p0 $0x9C00;
	s4 =	sadd.s32 @!p0 $0x180, s17;
	[sflag:s25] =	ssyncadd.s32 $0xFFFFC000  }
0xb8: {  	[tilespmem:s6], [sflag:$0x3] =	stream.indirect.gather @!p0 [hbm4b:s2+s5], $0x80, s4, s5, $0xb8;
	[tilespmem:$0x1DC00] =	vst v63  }
0xb9: {  	_ =	swait.ge [sflag:s26], $0x4000  }
0xba: {  	s7 =	rddreg [dreg:$0x8];
	[sflag:s26] =	ssyncset.done $0x0  }
0xbb: {  	[sflag:s26] =	ssyncadd.s32 $0xFFFFC000;
	s4 =	sadd.s32 s15, s7  }
0xbc: {  	[hbm4b:s4+s3] =	stream.linear.scatter [tilespmem:s14], [sflag:$0xB], $0x4000, $0x38;
	[tilespmem:$0x1DC00] =	vst v63  }
0xbd: {  	_ =	swait.ge [sflag:s28], $0x4000  }
0xbe: {  	[sflag:s28] =	ssyncset.done $0x0  }
0xbf: {  	s6 =	simm.s32 @!p0 $0xDC00;
	s4 =	sadd.s32 @!p0 $0x200, s17;
	[sflag:s28] =	ssyncadd.s32 $0xFFFFC000  }
0xc0: {  	[tilespmem:s6], [sflag:$0x4] =	stream.indirect.gather @!p0 [hbm4b:s2+s5], $0x80, s4, s5, $0xb8;
	[tilespmem:$0x1DC00] =	vst v63  }
0xc1: {  	_ =	swait.ge [sflag:s29], $0x4000  }
0xc2: {  	s11 =	rddreg [dreg:$0x7];
	[sflag:s29] =	ssyncset.done $0x0  }
0xc3: {  	[sflag:s29] =	ssyncadd.s32 $0xFFFFC000;
	s4 =	sadd.s32 s15, s11  }
0xc4: {  	[hbm4b:s4+s3] =	stream.linear.scatter [tilespmem:s16], [sflag:$0xC], $0x4000, $0x38;
	[tilespmem:$0x1DC00] =	vst v63  }
0xc5: {  	_ =	swait.ge [sflag:s30], $0x4000  }
0xc6: {  	[sflag:s30] =	ssyncset.done $0x0  }
0xc7: {  	s6 =	simm.s32 @!p0 $0x11C00;
	s4 =	sadd.s32 @!p0 $0x280, s17;
	[sflag:s30] =	ssyncadd.s32 $0xFFFFC000  }
0xc8: {  	[tilespmem:s6], [sflag:$0x5] =	stream.indirect.gather @!p0 [hbm4b:s2+s5], $0x80, s4, s5, $0xb8;
	[tilespmem:$0x1DC00] =	vst v63  }
0xc9: {  	_ =	swait.ge [sflag:s31], $0x4000  }
0xca: {  	s6 =	rddreg [dreg:$0x6];
	[sflag:s31] =	ssyncset.done $0x0  }
0xcb: {  	[sflag:s31] =	ssyncadd.s32 $0xFFFFC000;
	s4 =	sadd.s32 s15, s6  }
0xcc: {  	[hbm4b:s4+s3] =	stream.linear.scatter [tilespmem:s18], [sflag:$0xD], $0x4000, $0x38;
	[tilespmem:$0x1DC00] =	vst v63  }
0xcd: {  	_ =	swait.ge [sflag:s1], $0x4000  }
0xce: {  	[sflag:s1] =	ssyncset.done $0x0  }
0xcf: {  	s6 =	simm.s32 @!p0 $0x15C00;
	s4 =	sadd.s32 @!p0 $0x300, s17;
	[sflag:s1] =	ssyncadd.s32 $0xFFFFC000  }
0xd0: {  	[tilespmem:s6], [sflag:$0x6] =	stream.indirect.gather @!p0 [hbm4b:s2+s5], $0x80, s4, s5, $0xb8;
	[tilespmem:$0x1DC00] =	vst v63  }
0xd1: {  	_ =	swait.ge [sflag:s0], $0x4000  }
0xd2: {  	s7 =	rddreg [dreg:$0x5];
	[sflag:s0] =	ssyncset.done $0x0  }
0xd3: {  	s11 =	simm.s32 $0xE;
	s4 =	sadd.s32 s15, s7;
	[sflag:s0] =	ssyncadd.s32 $0xFFFFC000  }
0xd4: {  	[hbm4b:s4+s3] =	stream.linear.scatter [tilespmem:s19], [sflag:$0xE], $0x4000, $0x38;
	[tilespmem:$0x1DC00] =	vst v63  }
0xd5: {  	_ =	swait.ge [sflag:s11], $0x4000  }
0xd6: {  	[sflag:s11] =	ssyncset.done $0x0  }
0xd7: {  	[sflag:s11] =	ssyncadd.s32 $0xFFFFC000  }
0xd8: {  	_ =	swait.ge [sflag:s20], $0x4000  }
0xd9: {  	[sflag:s20] =	ssyncset.done $0x0  }
0xda: {  	s15 =	rddreg [dreg:$0xb];
	[sflag:s20] =	ssyncadd.s32 $0xFFFFC000  }
0xdb: {  	[hbm4b:s15+s3] =	stream.linear.scatter [tilespmem:s9], [sflag:$0x8], $0x4000, $0x38;
	[tilespmem:$0x1DC00] =	vst v63  }
0xdc: {  	_ =	swait.ge [sflag:s21], $0x4000  }
0xdd: {  	s13 =	sadd.s32 $0x1, s13;
	s17 =	rddreg [dreg:$0xc]  }
0xde: {  	p0 =	sne.s32 s13, s17  }
.Ltmp1:
0xdf: {  	_ = 	snop;
	(pc) =	sbr.rel @p0 .LBB2_1-.Ltmp1, $3  }
0xe0: {  	_ =	sdelay $0x1  }
0xe1: {  	[sflag:s21] =	ssyncset.done $0x0  }
0xe2: {  	[sflag:s21] =	ssyncadd.s32 $0xFFFFC000  }
0xe3: {  	_ =	sfence.sel $0x180000  }
0xe4: {  	[bflag:$0x0] =	sbarrier.arrive $0xFFFF  }
0xe5: {  	_ =	strace $0x90000047  }
0xe6: {  	s0 =	stileid.u32;
	[bflag:$0x2] =	sbarrier.arrive $0xFFFF  }
0xe7: {  	p0 =	sne.s32 s0, $0x0;
	s0 =	rddreg [dreg:$0x3]  }
0xe8: {  	s0 =	sadd.s32 @!p0 $0x100000, s0  }
0xe9: {  	[sflag:s0] =	ssyncadd.tile.s32 @!p0 $0x1;
	_ =	shalt  }
.Lfunc_end2:
_tile_overlayer_lowered:
.L_overlay_start_2:
0xea: {  	(tag) =	ssettag $0x2  }
0xeb: {  	s0 =	rddreg [dreg:$0x0];
	s2 =	stileid.u32  }
0xec: {  	s1 =	rddreg [dreg:$0x1];
	p0 =	sne.s32 s2, $0x0  }
0xed: {  	s3 =	rddreg [dreg:$0x2];
	[bflag:$0x3] =	sbarrier.arrive $0xFFFF;
	s2 =	simm.s32 @!p0 $0x1C0F  }
0xee: {  	[timem:s3], [sflag:s2] =	dma.local @!p0 [hbm:s0], s1  }
0xef: {  	s0 =	simm.s32 @!p0 $0xF  }
0xf0: {  	_ =	swait.ge @!p0 [sflag:s0], s1  }
0xf1: {  	s1 =	ssub.s32 @!p0 $0x0, s1;
	[sflag:s0] =	ssyncset.done @!p0 $0x0  }
0xf2: {  	[sflag:s0] =	ssyncadd.s32 @!p0 s1  }
0xf3: {  	[bflag:$0x3] =	sbarrier.arrive $0xFFFF  }
0xf4: {  	_ =	shalt  }

</sc_bundles>
